<compile_context>
chip_gen: v7x
topology: tpu7x:2x2x1
jax: 0.10.2.dev20260603
libtpu: 0.0.44.dev20260713+nightly
codegen_flags: <defaults>
</compile_context>

<pallas_src>
import functools

import jax
import jax.numpy as jnp
from jax import lax
from jax.experimental import pallas as pl
from jax.experimental.pallas import tpu as pltpu
from jax.experimental.pallas import tpu_sc as plsc

B = 16384
F = 26
E = 16
N = B * F
NW = 32
PW = N // NW
CH = 1664
NCH = PW // CH
D_HIDDEN = F * E
VROWS = 100000
TROWS = F * VROWS


def _sc_gather(x_flat, off_flat, embed_table, lin_flat):
    mesh = plsc.VectorSubcoreMesh(core_axis_name="c", subcore_axis_name="s")

    @functools.partial(
        pl.kernel,
        out_type=(
            jax.ShapeDtypeStruct((N, E), jnp.float32),
            jax.ShapeDtypeStruct((N,), jnp.float32),
        ),
        mesh=mesh,
        compiler_params=pltpu.CompilerParams(use_tc_tiling_on_sc=False),
        scratch_types=[
            pltpu.VMEM((PW,), jnp.int32),
            pltpu.VMEM((PW,), jnp.int32),
            pltpu.VMEM((2, CH, E), jnp.float32),
            pltpu.VMEM((2, CH), jnp.float32),
            pltpu.SemaphoreType.DMA,
            pltpu.SemaphoreType.DMA,
        ],
    )
    def k(x_hbm, off_hbm, emb_hbm, lin_hbm, out_e, out_l,
          idx_v, off_v, ebuf, lbuf, esem, lsem):
        wid = lax.axis_index("s") * 2 + lax.axis_index("c")
        base = wid * PW

        pltpu.sync_copy(x_hbm.at[pl.ds(base, PW)], idx_v)
        pltpu.sync_copy(off_hbm, off_v)

        def add_off(j, _):
            for u in range(8):
                sl = pl.ds(j * 128 + u * 16, 16)
                idx_v[sl] = idx_v[sl] + off_v[sl]
            return 0

        lax.fori_loop(0, PW // 128, add_off, 0)

        ed = [None, None]
        ld = [None, None]
        for j in range(NCH):
            b = j & 1
            isl = idx_v.at[pl.ds(j * CH, CH)]
            ed[b] = pltpu.async_copy(emb_hbm.at[isl], ebuf.at[b], esem)
            ld[b] = pltpu.async_copy(lin_hbm.at[isl], lbuf.at[b], lsem)
            if j > 0:
                p = (j - 1) & 1
                ed[p].wait()
                pltpu.sync_copy(ebuf.at[p],
                                out_e.at[pl.ds(base + (j - 1) * CH, CH)])
                ld[p].wait()
                pltpu.sync_copy(lbuf.at[p],
                                out_l.at[pl.ds(base + (j - 1) * CH, CH)])
        p = (NCH - 1) & 1
        ed[p].wait()
        pltpu.sync_copy(ebuf.at[p], out_e.at[pl.ds(base + (NCH - 1) * CH, CH)])
        ld[p].wait()
        pltpu.sync_copy(lbuf.at[p], out_l.at[pl.ds(base + (NCH - 1) * CH, CH)])

    return k(x_flat, off_flat, embed_table, lin_flat)


def _tc_mlp(h, linv, W1, b1, W2, b2, w3row, b3):
    BM = 1024
    grid = (B // BM,)

    def body(h_ref, l_ref, w1_ref, b1_ref, w2_ref, b2_ref, w3_ref, b3_ref,
             o_ref):
        hb = h_ref[...]
        a1 = jnp.dot(hb, w1_ref[...], preferred_element_type=jnp.float32)
        a1 = jnp.maximum(a1 + b1_ref[...], 0.0)
        a2 = jnp.dot(a1, w2_ref[...], preferred_element_type=jnp.float32)
        a2 = jnp.maximum(a2 + b2_ref[...], 0.0)
        deep = jnp.sum(a2 * w3_ref[...], axis=1) + b3_ref[0, 0]
        lin_b = jnp.sum(l_ref[...], axis=1)
        o_ref[...] = (deep + lin_b).reshape(BM // 128, 128)

    out = pl.pallas_call(
        body,
        grid=grid,
        in_specs=[
            pl.BlockSpec((BM, D_HIDDEN), lambda i: (i, 0)),
            pl.BlockSpec((BM, F), lambda i: (i, 0)),
            pl.BlockSpec((D_HIDDEN, 256), lambda i: (0, 0)),
            pl.BlockSpec((1, 256), lambda i: (0, 0)),
            pl.BlockSpec((256, 128), lambda i: (0, 0)),
            pl.BlockSpec((1, 128), lambda i: (0, 0)),
            pl.BlockSpec((1, 128), lambda i: (0, 0)),
            pl.BlockSpec((1, 1), lambda i: (0, 0)),
        ],
        out_specs=pl.BlockSpec((BM // 128, 128), lambda i: (i, 0)),
        out_shape=jax.ShapeDtypeStruct((B // 128, 128), jnp.float32),
    )(h, linv, W1, b1, W2, b2, w3row, b3)
    return out.reshape(B)


def kernel(x, embed_table, lin_table, W1, b1, W2, b2, W3, b3):
    x_flat = x.reshape(N)
    off_flat = (jnp.arange(PW, dtype=jnp.int32) % F) * VROWS
    lin_flat = lin_table.reshape(lin_table.shape[0])
    emb_rows, lin_rows = _sc_gather(x_flat, off_flat, embed_table, lin_flat)
    h = emb_rows.reshape(B, D_HIDDEN)
    linv = lin_rows.reshape(B, F)
    return _tc_mlp(h, linv, W1, b1.reshape(1, 256), W2, b2.reshape(1, 128),
                   W3.reshape(1, 128), b3.reshape(1, 1))

# --- scband reference (transcript-rebuilt; emitter-appended) ---
"""Pipeline reference for scband-wide-and-deep-model-38792144617591 (READ-ONLY COPY).

The authoritative reference and input builder live on the scoring server;
editing this copy changes nothing except your own understanding.
"""

import jax, jax.numpy as jnp
import numpy as np

FIELD_DIMS = [100000] * 26
EMBED_DIM = 16
BATCH = 16384
NUM_FIELDS = len(FIELD_DIMS)
EMBED_OUTPUT_DIM = NUM_FIELDS * EMBED_DIM  # 416
OFFSETS = jnp.asarray(np.concatenate(([0], np.cumsum(FIELD_DIMS)[:-1])), dtype=jnp.int32)
TOTAL_ROWS = int(sum(FIELD_DIMS))  # 2,600,000


def setup_inputs(seed: int = 0) -> dict:
    key = jax.random.key(seed)
    ks = jax.random.split(key, 10)
    x = jax.random.randint(ks[0], (BATCH, NUM_FIELDS), 0, 100000, dtype=jnp.int32)
    embed_table = jax.random.normal(ks[1], (TOTAL_ROWS, EMBED_DIM), dtype=jnp.float32) * 0.01
    lin_table = jax.random.normal(ks[2], (TOTAL_ROWS, 1), dtype=jnp.float32) * 0.01
    W1 = jax.random.normal(ks[3], (EMBED_OUTPUT_DIM, 256), dtype=jnp.float32) * (1.0 / np.sqrt(EMBED_OUTPUT_DIM))
    b1 = jnp.zeros((256,), dtype=jnp.float32)
    W2 = jax.random.normal(ks[4], (256, 128), dtype=jnp.float32) * (1.0 / np.sqrt(256))
    b2 = jnp.zeros((128,), dtype=jnp.float32)
    W3 = jax.random.normal(ks[5], (128, 1), dtype=jnp.float32) * (1.0 / np.sqrt(128))
    b3 = jnp.zeros((1,), dtype=jnp.float32)
    return {"x": x, "embed_table": embed_table, "lin_table": lin_table,
            "W1": W1, "b1": b1, "W2": W2, "b2": b2, "W3": W3, "b3": b3}


def reference(x, embed_table, lin_table, W1, b1, W2, b2, W3, b3):
    # FeaturesEmbedding: add per-field offsets, then a single gather from the fused table
    idx = x + OFFSETS[None, :]  # [B, F]
    embed_bfe = jnp.take(embed_table, idx, axis=0)  # [B, F, E]
    linear_bf = jnp.take(lin_table, idx, axis=0)[..., 0]  # [B, F]
    linear_b = linear_bf.sum(-1)  # [B]
    # MLP (dropout=0.0 -> identity)
    h = embed_bfe.reshape(embed_bfe.shape[0], EMBED_OUTPUT_DIM)
    h = jax.nn.relu(h @ W1 + b1)
    h = jax.nn.relu(h @ W2 + b2)
    deep_b = (h @ W3 + b3).sum(-1)  # [B]
    return linear_b + deep_b

if __name__ == "__main__":
    import jax
    _d = setup_inputs()
    print(jax.jit(kernel)(*tuple(_d.values())))

</pallas_src>

<mosaic_0001>
#map = affine_map<(d0, d1) -> (0)>
#map1 = affine_map<(d0, d1) -> (0, 0)>
module attributes {stable_mosaic.version = 14 : i64} {
  func.func @k(%arg0: i32, %arg1: i32, %arg2: memref<425984xi32, #tpu.memory_space<hbm>>, %arg3: memref<13312xi32, #tpu.memory_space<hbm>>, %arg4: memref<2600000x16xf32, #tpu.memory_space<hbm>>, %arg5: memref<2600000xf32, #tpu.memory_space<hbm>>, %arg6: memref<425984x16xf32, #tpu.memory_space<hbm>>, %arg7: memref<425984xf32, #tpu.memory_space<hbm>>, %arg8: memref<13312xi32, #tpu.memory_space<vmem>>, %arg9: memref<13312xi32, #tpu.memory_space<vmem>>, %arg10: memref<2x1664x16xf32, #tpu.memory_space<vmem>>, %arg11: memref<2x1664xf32, #tpu.memory_space<vmem>>, %arg12: memref<!tpu.dma_semaphore, #tpu.memory_space<semaphore_mem>>, %arg13: memref<!tpu.dma_semaphore, #tpu.memory_space<semaphore_mem>>) attributes {dimension_semantics = [#tpu.dimension_semantics<core_parallel>, #tpu.dimension_semantics<subcore_parallel>], iteration_bounds = array<i64: 2, 16>, scalar_prefetch = 0 : i64, scratch_operands = 6 : i64, tpu.core_type = #tpu.core_type<sc_vector_subcore>, window_params = [{transform_indices = #map}, {transform_indices = #map}, {transform_indices = #map1}, {transform_indices = #map}, {transform_indices = #map1}, {transform_indices = #map}]} {
    %mul3A = arith.constant 2 : i32
    %mul3A_0 = arith.muli %arg1, %mul3A : i32
    %add3A = arith.addi %mul3A_0, %arg0 : i32
    %mul3A_1 = arith.constant 13312 : i32
    %mul3A_2 = arith.muli %add3A, %mul3A_1 : i32
    "tpu.region"() ({
      %run_scoped3A_342 = tpu.sem_alloc : memref<!tpu.dma_semaphore, #tpu.memory_space<semaphore_mem>>
      %dma_start3A_343 = tpu.memref_slice %arg2[%mul3A_2] : memref<425984xi32, #tpu.memory_space<hbm>> -> memref<13312xi32, #tpu.memory_space<hbm>>
      %dma_start3A_344 = tpu.memref_slice %arg2[%mul3A_2] : memref<425984xi32, #tpu.memory_space<hbm>> -> memref<13312xi32, #tpu.memory_space<hbm>>
      tpu.enqueue_dma source(%dma_start3A_344 : memref<13312xi32, #tpu.memory_space<hbm>>) target(%arg8 : memref<13312xi32, #tpu.memory_space<vmem>>) target_semaphore(%run_scoped3A_342 : memref<!tpu.dma_semaphore, #tpu.memory_space<semaphore_mem>>)
      %dma_wait3A_345 = tpu.memref_slice %arg2[%mul3A_2] : memref<425984xi32, #tpu.memory_space<hbm>> -> memref<13312xi32, #tpu.memory_space<hbm>>
      %dma_wait3A_346 = tpu.memref_slice %arg2[%mul3A_2] : memref<425984xi32, #tpu.memory_space<hbm>> -> memref<13312xi32, #tpu.memory_space<hbm>>
      tpu.wait_dma2 semaphore(%run_scoped3A_342 : memref<!tpu.dma_semaphore, #tpu.memory_space<semaphore_mem>>) src(%dma_wait3A_346 : memref<13312xi32, #tpu.memory_space<hbm>>) dst(%arg8 : memref<13312xi32, #tpu.memory_space<vmem>>)
      tpu.yield
    }) : () -> ()
    "tpu.region"() ({
      %run_scoped3A_342 = tpu.sem_alloc : memref<!tpu.dma_semaphore, #tpu.memory_space<semaphore_mem>>
      tpu.enqueue_dma source(%arg3 : memref<13312xi32, #tpu.memory_space<hbm>>) target(%arg9 : memref<13312xi32, #tpu.memory_space<vmem>>) target_semaphore(%run_scoped3A_342 : memref<!tpu.dma_semaphore, #tpu.memory_space<semaphore_mem>>)
      tpu.wait_dma2 semaphore(%run_scoped3A_342 : memref<!tpu.dma_semaphore, #tpu.memory_space<semaphore_mem>>) src(%arg3 : memref<13312xi32, #tpu.memory_space<hbm>>) dst(%arg9 : memref<13312xi32, #tpu.memory_space<vmem>>)
      tpu.yield
    }) : () -> ()
    %scan3A = arith.constant 0 : i32
    %scan3A_3 = arith.constant 0 : i32
    %scan3A_4 = arith.constant 104 : i32
    %scan3A_5 = arith.addi %scan3A_3, %scan3A_4 : i32
    %scan3A_6 = arith.constant 1 : i32
    %scan3A_7 = scf.for %scan3A_342 = %scan3A_3 to %scan3A_5 step %scan3A_6 iter_args(%scan3A_343 = %scan3A) -> (i32)  : i32 {
      %mul3A_344 = arith.constant 128 : i32
      %mul3A_345 = arith.muli %scan3A_342, %mul3A_344 : i32
      %add3A_346 = arith.constant 0 : i32
      %add3A_347 = arith.addi %mul3A_345, %add3A_346 : i32
      %get3A = arith.index_cast %add3A_347 : i32 to index
      %get3A_348 = tpu.vector_load %arg8[%get3A] {strides = array<i32>} : memref<13312xi32, #tpu.memory_space<vmem>>, vector<16xi32>,
      %get3A_349 = vector.shape_cast %get3A_348 : vector<16xi32> to vector<16xi32>
      %get3A_350 = arith.index_cast %add3A_347 : i32 to index
      %get3A_351 = tpu.vector_load %arg9[%get3A_350] {strides = array<i32>} : memref<13312xi32, #tpu.memory_space<vmem>>, vector<16xi32>,
      %get3A_352 = vector.shape_cast %get3A_351 : vector<16xi32> to vector<16xi32>
      %add3A_353 = arith.addi %get3A_349, %get3A_352 : vector<16xi32>
      %swap3A = arith.index_cast %add3A_347 : i32 to index
      %swap3A_354 = tpu.vector_load %arg8[%swap3A] {strides = array<i32>} : memref<13312xi32, #tpu.memory_space<vmem>>, vector<16xi32>,
      %swap3A_355 = vector.shape_cast %swap3A_354 : vector<16xi32> to vector<16xi32>
      %swap3A_356 = vector.shape_cast %add3A_353 : vector<16xi32> to vector<16xi32>
      tpu.vector_store %arg8[%swap3A], %swap3A_356 {strides = array<i32>} : memref<13312xi32, #tpu.memory_space<vmem>>, vector<16xi32>,
      %mul3A_357 = arith.constant 128 : i32
      %mul3A_358 = arith.muli %scan3A_342, %mul3A_357 : i32
      %add3A_359 = arith.constant 16 : i32
      %add3A_360 = arith.addi %mul3A_358, %add3A_359 : i32
      %get3A_361 = arith.index_cast %add3A_360 : i32 to index
      %get3A_362 = tpu.vector_load %arg8[%get3A_361] {strides = array<i32>} : memref<13312xi32, #tpu.memory_space<vmem>>, vector<16xi32>,
      %get3A_363 = vector.shape_cast %get3A_362 : vector<16xi32> to vector<16xi32>
      %get3A_364 = arith.index_cast %add3A_360 : i32 to index
      %get3A_365 = tpu.vector_load %arg9[%get3A_364] {strides = array<i32>} : memref<13312xi32, #tpu.memory_space<vmem>>, vector<16xi32>,
      %get3A_366 = vector.shape_cast %get3A_365 : vector<16xi32> to vector<16xi32>
      %add3A_367 = arith.addi %get3A_363, %get3A_366 : vector<16xi32>
      %swap3A_368 = arith.index_cast %add3A_360 : i32 to index
      %swap3A_369 = tpu.vector_load %arg8[%swap3A_368] {strides = array<i32>} : memref<13312xi32, #tpu.memory_space<vmem>>, vector<16xi32>,
      %swap3A_370 = vector.shape_cast %swap3A_369 : vector<16xi32> to vector<16xi32>
      %swap3A_371 = vector.shape_cast %add3A_367 : vector<16xi32> to vector<16xi32>
      tpu.vector_store %arg8[%swap3A_368], %swap3A_371 {strides = array<i32>} : memref<13312xi32, #tpu.memory_space<vmem>>, vector<16xi32>,
      %mul3A_372 = arith.constant 128 : i32
      %mul3A_373 = arith.muli %scan3A_342, %mul3A_372 : i32
      %add3A_374 = arith.constant 32 : i32
      %add3A_375 = arith.addi %mul3A_373, %add3A_374 : i32
      %get3A_376 = arith.index_cast %add3A_375 : i32 to index
      %get3A_377 = tpu.vector_load %arg8[%get3A_376] {strides = array<i32>} : memref<13312xi32, #tpu.memory_space<vmem>>, vector<16xi32>,
      %get3A_378 = vector.shape_cast %get3A_377 : vector<16xi32> to vector<16xi32>
      %get3A_379 = arith.index_cast %add3A_375 : i32 to index
      %get3A_380 = tpu.vector_load %arg9[%get3A_379] {strides = array<i32>} : memref<13312xi32, #tpu.memory_space<vmem>>, vector<16xi32>,
      %get3A_381 = vector.shape_cast %get3A_380 : vector<16xi32> to vector<16xi32>
      %add3A_382 = arith.addi %get3A_378, %get3A_381 : vector<16xi32>
      %swap3A_383 = arith.index_cast %add3A_375 : i32 to index
      %swap3A_384 = tpu.vector_load %arg8[%swap3A_383] {strides = array<i32>} : memref<13312xi32, #tpu.memory_space<vmem>>, vector<16xi32>,
      %swap3A_385 = vector.shape_cast %swap3A_384 : vector<16xi32> to vector<16xi32>
      %swap3A_386 = vector.shape_cast %add3A_382 : vector<16xi32> to vector<16xi32>
      tpu.vector_store %arg8[%swap3A_383], %swap3A_386 {strides = array<i32>} : memref<13312xi32, #tpu.memory_space<vmem>>, vector<16xi32>,
      %mul3A_387 = arith.constant 128 : i32
      %mul3A_388 = arith.muli %scan3A_342, %mul3A_387 : i32
      %add3A_389 = arith.constant 48 : i32
      %add3A_390 = arith.addi %mul3A_388, %add3A_389 : i32
      %get3A_391 = arith.index_cast %add3A_390 : i32 to index
      %get3A_392 = tpu.vector_load %arg8[%get3A_391] {strides = array<i32>} : memref<13312xi32, #tpu.memory_space<vmem>>, vector<16xi32>,
      %get3A_393 = vector.shape_cast %get3A_392 : vector<16xi32> to vector<16xi32>
      %get3A_394 = arith.index_cast %add3A_390 : i32 to index
      %get3A_395 = tpu.vector_load %arg9[%get3A_394] {strides = array<i32>} : memref<13312xi32, #tpu.memory_space<vmem>>, vector<16xi32>,
      %get3A_396 = vector.shape_cast %get3A_395 : vector<16xi32> to vector<16xi32>
      %add3A_397 = arith.addi %get3A_393, %get3A_396 : vector<16xi32>
      %swap3A_398 = arith.index_cast %add3A_390 : i32 to index
      %swap3A_399 = tpu.vector_load %arg8[%swap3A_398] {strides = array<i32>} : memref<13312xi32, #tpu.memory_space<vmem>>, vector<16xi32>,
      %swap3A_400 = vector.shape_cast %swap3A_399 : vector<16xi32> to vector<16xi32>
      %swap3A_401 = vector.shape_cast %add3A_397 : vector<16xi32> to vector<16xi32>
      tpu.vector_store %arg8[%swap3A_398], %swap3A_401 {strides = array<i32>} : memref<13312xi32, #tpu.memory_space<vmem>>, vector<16xi32>,
      %mul3A_402 = arith.constant 128 : i32
      %mul3A_403 = arith.muli %scan3A_342, %mul3A_402 : i32
      %add3A_404 = arith.constant 64 : i32
      %add3A_405 = arith.addi %mul3A_403, %add3A_404 : i32
      %get3A_406 = arith.index_cast %add3A_405 : i32 to index
      %get3A_407 = tpu.vector_load %arg8[%get3A_406] {strides = array<i32>} : memref<13312xi32, #tpu.memory_space<vmem>>, vector<16xi32>,
      %get3A_408 = vector.shape_cast %get3A_407 : vector<16xi32> to vector<16xi32>
      %get3A_409 = arith.index_cast %add3A_405 : i32 to index
      %get3A_410 = tpu.vector_load %arg9[%get3A_409] {strides = array<i32>} : memref<13312xi32, #tpu.memory_space<vmem>>, vector<16xi32>,
      %get3A_411 = vector.shape_cast %get3A_410 : vector<16xi32> to vector<16xi32>
      %add3A_412 = arith.addi %get3A_408, %get3A_411 : vector<16xi32>
      %swap3A_413 = arith.index_cast %add3A_405 : i32 to index
      %swap3A_414 = tpu.vector_load %arg8[%swap3A_413] {strides = array<i32>} : memref<13312xi32, #tpu.memory_space<vmem>>, vector<16xi32>,
      %swap3A_415 = vector.shape_cast %swap3A_414 : vector<16xi32> to vector<16xi32>
      %swap3A_416 = vector.shape_cast %add3A_412 : vector<16xi32> to vector<16xi32>
      tpu.vector_store %arg8[%swap3A_413], %swap3A_416 {strides = array<i32>} : memref<13312xi32, #tpu.memory_space<vmem>>, vector<16xi32>,
      %mul3A_417 = arith.constant 128 : i32
      %mul3A_418 = arith.muli %scan3A_342, %mul3A_417 : i32
      %add3A_419 = arith.constant 80 : i32
      %add3A_420 = arith.addi %mul3A_418, %add3A_419 : i32
      %get3A_421 = arith.index_cast %add3A_420 : i32 to index
      %get3A_422 = tpu.vector_load %arg8[%get3A_421] {strides = array<i32>} : memref<13312xi32, #tpu.memory_space<vmem>>, vector<16xi32>,
      %get3A_423 = vector.shape_cast %get3A_422 : vector<16xi32> to vector<16xi32>
      %get3A_424 = arith.index_cast %add3A_420 : i32 to index
      %get3A_425 = tpu.vector_load %arg9[%get3A_424] {strides = array<i32>} : memref<13312xi32, #tpu.memory_space<vmem>>, vector<16xi32>,
      %get3A_426 = vector.shape_cast %get3A_425 : vector<16xi32> to vector<16xi32>
      %add3A_427 = arith.addi %get3A_423, %get3A_426 : vector<16xi32>
      %swap3A_428 = arith.index_cast %add3A_420 : i32 to index
      %swap3A_429 = tpu.vector_load %arg8[%swap3A_428] {strides = array<i32>} : memref<13312xi32, #tpu.memory_space<vmem>>, vector<16xi32>,
      %swap3A_430 = vector.shape_cast %swap3A_429 : vector<16xi32> to vector<16xi32>
      %swap3A_431 = vector.shape_cast %add3A_427 : vector<16xi32> to vector<16xi32>
      tpu.vector_store %arg8[%swap3A_428], %swap3A_431 {strides = array<i32>} : memref<13312xi32, #tpu.memory_space<vmem>>, vector<16xi32>,
      %mul3A_432 = arith.constant 128 : i32
      %mul3A_433 = arith.muli %scan3A_342, %mul3A_432 : i32
      %add3A_434 = arith.constant 96 : i32
      %add3A_435 = arith.addi %mul3A_433, %add3A_434 : i32
      %get3A_436 = arith.index_cast %add3A_435 : i32 to index
      %get3A_437 = tpu.vector_load %arg8[%get3A_436] {strides = array<i32>} : memref<13312xi32, #tpu.memory_space<vmem>>, vector<16xi32>,
      %get3A_438 = vector.shape_cast %get3A_437 : vector<16xi32> to vector<16xi32>
      %get3A_439 = arith.index_cast %add3A_435 : i32 to index
      %get3A_440 = tpu.vector_load %arg9[%get3A_439] {strides = array<i32>} : memref<13312xi32, #tpu.memory_space<vmem>>, vector<16xi32>,
      %get3A_441 = vector.shape_cast %get3A_440 : vector<16xi32> to vector<16xi32>
      %add3A_442 = arith.addi %get3A_438, %get3A_441 : vector<16xi32>
      %swap3A_443 = arith.index_cast %add3A_435 : i32 to index
      %swap3A_444 = tpu.vector_load %arg8[%swap3A_443] {strides = array<i32>} : memref<13312xi32, #tpu.memory_space<vmem>>, vector<16xi32>,
      %swap3A_445 = vector.shape_cast %swap3A_444 : vector<16xi32> to vector<16xi32>
      %swap3A_446 = vector.shape_cast %add3A_442 : vector<16xi32> to vector<16xi32>
      tpu.vector_store %arg8[%swap3A_443], %swap3A_446 {strides = array<i32>} : memref<13312xi32, #tpu.memory_space<vmem>>, vector<16xi32>,
      %mul3A_447 = arith.constant 128 : i32
      %mul3A_448 = arith.muli %scan3A_342, %mul3A_447 : i32
      %add3A_449 = arith.constant 112 : i32
      %add3A_450 = arith.addi %mul3A_448, %add3A_449 : i32
      %get3A_451 = arith.index_cast %add3A_450 : i32 to index
      %get3A_452 = tpu.vector_load %arg8[%get3A_451] {strides = array<i32>} : memref<13312xi32, #tpu.memory_space<vmem>>, vector<16xi32>,
      %get3A_453 = vector.shape_cast %get3A_452 : vector<16xi32> to vector<16xi32>
      %get3A_454 = arith.index_cast %add3A_450 : i32 to index
      %get3A_455 = tpu.vector_load %arg9[%get3A_454] {strides = array<i32>} : memref<13312xi32, #tpu.memory_space<vmem>>, vector<16xi32>,
      %get3A_456 = vector.shape_cast %get3A_455 : vector<16xi32> to vector<16xi32>
      %add3A_457 = arith.addi %get3A_453, %get3A_456 : vector<16xi32>
      %swap3A_458 = arith.index_cast %add3A_450 : i32 to index
      %swap3A_459 = tpu.vector_load %arg8[%swap3A_458] {strides = array<i32>} : memref<13312xi32, #tpu.memory_space<vmem>>, vector<16xi32>,
      %swap3A_460 = vector.shape_cast %swap3A_459 : vector<16xi32> to vector<16xi32>
      %swap3A_461 = vector.shape_cast %add3A_457 : vector<16xi32> to vector<16xi32>
      tpu.vector_store %arg8[%swap3A_458], %swap3A_461 {strides = array<i32>} : memref<13312xi32, #tpu.memory_space<vmem>>, vector<16xi32>,
      %scan3A_462 = arith.constant 0 : i32
      scf.yield %scan3A_462 : i32
    }
    %scan3A_8 = arith.constant 104 : i32
    %dma_start3A = arith.constant 0 : i32
    %dma_start3A_9 = arith.constant 0 : i32
    %dma_start3A_10 = arith.constant 0 : i32
    %dma_start3A_11 = tpu.memref_slice %arg10[%dma_start3A, %dma_start3A_9, %dma_start3A_10] : memref<2x1664x16xf32, #tpu.memory_space<vmem>> -> memref<1x1664x16xf32, #tpu.memory_space<vmem>>
    %dma_start3A_12 = tpu.memref_squeeze %dma_start3A_11 : memref<1x1664x16xf32, #tpu.memory_space<vmem>> -> memref<1664x16xf32, #tpu.memory_space<vmem>>
    %dma_start3A_13 = arith.constant 0 : i32
    %dma_start3A_14 = tpu.memref_slice %arg8[%dma_start3A_13] : memref<13312xi32, #tpu.memory_space<vmem>> -> memref<1664xi32, #tpu.memory_space<vmem>>
    %dma_start3A_15 = arith.constant 0 : i32
    %dma_start3A_16 = arith.constant 0 : i32
    %dma_start3A_17 = tpu.memref_slice %arg4[%dma_start3A_15, %dma_start3A_16] : memref<2600000x16xf32, #tpu.memory_space<hbm>> -> memref<2600000x16xf32, #tpu.memory_space<hbm>>
    tpu.enqueue_indirect_dma source(%dma_start3A_17 : memref<2600000x16xf32, #tpu.memory_space<hbm>>) target(%dma_start3A_12 : memref<1664x16xf32, #tpu.memory_space<vmem>>) offsets(%dma_start3A_14 : memref<1664xi32, #tpu.memory_space<vmem>>) semaphore(%arg12 : memref<!tpu.dma_semaphore, #tpu.memory_space<semaphore_mem>>)
    %dma_start3A_18 = arith.constant 0 : i32
    %dma_start3A_19 = arith.constant 0 : i32
    %dma_start3A_20 = tpu.memref_slice %arg11[%dma_start3A_18, %dma_start3A_19] : memref<2x1664xf32, #tpu.memory_space<vmem>> -> memref<1x1664xf32, #tpu.memory_space<vmem>>
    %dma_start3A_21 = tpu.memref_squeeze %dma_start3A_20 : memref<1x1664xf32, #tpu.memory_space<vmem>> -> memref<1664xf32, #tpu.memory_space<vmem>>
    %dma_start3A_22 = arith.constant 0 : i32
    %dma_start3A_23 = tpu.memref_slice %arg8[%dma_start3A_22] : memref<13312xi32, #tpu.memory_space<vmem>> -> memref<1664xi32, #tpu.memory_space<vmem>>
    %dma_start3A_24 = arith.constant 0 : i32
    %dma_start3A_25 = tpu.memref_slice %arg5[%dma_start3A_24] : memref<2600000xf32, #tpu.memory_space<hbm>> -> memref<2600000xf32, #tpu.memory_space<hbm>>
    tpu.enqueue_indirect_dma source(%dma_start3A_25 : memref<2600000xf32, #tpu.memory_space<hbm>>) target(%dma_start3A_21 : memref<1664xf32, #tpu.memory_space<vmem>>) offsets(%dma_start3A_23 : memref<1664xi32, #tpu.memory_space<vmem>>) semaphore(%arg13 : memref<!tpu.dma_semaphore, #tpu.memory_space<semaphore_mem>>)
    %dma_start3A_26 = arith.constant 1 : i32
    %dma_start3A_27 = arith.constant 0 : i32
    %dma_start3A_28 = arith.constant 0 : i32
    %dma_start3A_29 = tpu.memref_slice %arg10[%dma_start3A_26, %dma_start3A_27, %dma_start3A_28] : memref<2x1664x16xf32, #tpu.memory_space<vmem>> -> memref<1x1664x16xf32, #tpu.memory_space<vmem>>
    %dma_start3A_30 = tpu.memref_squeeze %dma_start3A_29 : memref<1x1664x16xf32, #tpu.memory_space<vmem>> -> memref<1664x16xf32, #tpu.memory_space<vmem>>
    %dma_start3A_31 = arith.constant 1664 : i32
    %dma_start3A_32 = tpu.memref_slice %arg8[%dma_start3A_31] : memref<13312xi32, #tpu.memory_space<vmem>> -> memref<1664xi32, #tpu.memory_space<vmem>>
    %dma_start3A_33 = arith.constant 0 : i32
    %dma_start3A_34 = arith.constant 0 : i32
    %dma_start3A_35 = tpu.memref_slice %arg4[%dma_start3A_33, %dma_start3A_34] : memref<2600000x16xf32, #tpu.memory_space<hbm>> -> memref<2600000x16xf32, #tpu.memory_space<hbm>>
    tpu.enqueue_indirect_dma source(%dma_start3A_35 : memref<2600000x16xf32, #tpu.memory_space<hbm>>) target(%dma_start3A_30 : memref<1664x16xf32, #tpu.memory_space<vmem>>) offsets(%dma_start3A_32 : memref<1664xi32, #tpu.memory_space<vmem>>) semaphore(%arg12 : memref<!tpu.dma_semaphore, #tpu.memory_space<semaphore_mem>>)
    %dma_start3A_36 = arith.constant 1 : i32
    %dma_start3A_37 = arith.constant 0 : i32
    %dma_start3A_38 = tpu.memref_slice %arg11[%dma_start3A_36, %dma_start3A_37] : memref<2x1664xf32, #tpu.memory_space<vmem>> -> memref<1x1664xf32, #tpu.memory_space<vmem>>
    %dma_start3A_39 = tpu.memref_squeeze %dma_start3A_38 : memref<1x1664xf32, #tpu.memory_space<vmem>> -> memref<1664xf32, #tpu.memory_space<vmem>>
    %dma_start3A_40 = arith.constant 1664 : i32
    %dma_start3A_41 = tpu.memref_slice %arg8[%dma_start3A_40] : memref<13312xi32, #tpu.memory_space<vmem>> -> memref<1664xi32, #tpu.memory_space<vmem>>
    %dma_start3A_42 = arith.constant 0 : i32
    %dma_start3A_43 = tpu.memref_slice %arg5[%dma_start3A_42] : memref<2600000xf32, #tpu.memory_space<hbm>> -> memref<2600000xf32, #tpu.memory_space<hbm>>
    tpu.enqueue_indirect_dma source(%dma_start3A_43 : memref<2600000xf32, #tpu.memory_space<hbm>>) target(%dma_start3A_39 : memref<1664xf32, #tpu.memory_space<vmem>>) offsets(%dma_start3A_41 : memref<1664xi32, #tpu.memory_space<vmem>>) semaphore(%arg13 : memref<!tpu.dma_semaphore, #tpu.memory_space<semaphore_mem>>)
    %dma_wait3A = arith.constant 0 : i32
    %dma_wait3A_44 = arith.constant 0 : i32
    %dma_wait3A_45 = arith.constant 0 : i32
    %dma_wait3A_46 = tpu.memref_slice %arg10[%dma_wait3A, %dma_wait3A_44, %dma_wait3A_45] : memref<2x1664x16xf32, #tpu.memory_space<vmem>> -> memref<1x1664x16xf32, #tpu.memory_space<vmem>>
    %dma_wait3A_47 = tpu.memref_squeeze %dma_wait3A_46 : memref<1x1664x16xf32, #tpu.memory_space<vmem>> -> memref<1664x16xf32, #tpu.memory_space<vmem>>
    %dma_wait3A_48 = arith.constant 0 : i32
    %dma_wait3A_49 = tpu.memref_slice %arg8[%dma_wait3A_48] : memref<13312xi32, #tpu.memory_space<vmem>> -> memref<1664xi32, #tpu.memory_space<vmem>>
    %dma_wait3A_50 = arith.constant 0 : i32
    %dma_wait3A_51 = arith.constant 0 : i32
    %dma_wait3A_52 = tpu.memref_slice %arg4[%dma_wait3A_50, %dma_wait3A_51] : memref<2600000x16xf32, #tpu.memory_space<hbm>> -> memref<2600000x16xf32, #tpu.memory_space<hbm>>
    tpu.wait_indirect_dma semaphore(%arg12 : memref<!tpu.dma_semaphore, #tpu.memory_space<semaphore_mem>>) src(%dma_wait3A_52 : memref<2600000x16xf32, #tpu.memory_space<hbm>>) dst(%dma_wait3A_47 : memref<1664x16xf32, #tpu.memory_space<vmem>>)
    %add3A_53 = arith.constant 0 : i32
    %add3A_54 = arith.addi %mul3A_2, %add3A_53 : i32
    %run_scoped3A = arith.constant 0 : i32
    "tpu.region"() ({
      %run_scoped3A_342 = tpu.sem_alloc : memref<!tpu.dma_semaphore, #tpu.memory_space<semaphore_mem>>
      %dma_start3A_343 = arith.constant 0 : i32
      %dma_start3A_344 = arith.constant 0 : i32
      %dma_start3A_345 = tpu.memref_slice %arg10[%run_scoped3A, %dma_start3A_343, %dma_start3A_344] : memref<2x1664x16xf32, #tpu.memory_space<vmem>> -> memref<1x1664x16xf32, #tpu.memory_space<vmem>>
      %dma_start3A_346 = tpu.memref_squeeze %dma_start3A_345 : memref<1x1664x16xf32, #tpu.memory_space<vmem>> -> memref<1664x16xf32, #tpu.memory_space<vmem>>
      %dma_start3A_347 = arith.constant 0 : i32
      %dma_start3A_348 = tpu.memref_slice %arg6[%add3A_54, %dma_start3A_347] : memref<425984x16xf32, #tpu.memory_space<hbm>> -> memref<1664x16xf32, #tpu.memory_space<hbm>>
      %dma_start3A_349 = arith.constant 0 : i32
      %dma_start3A_350 = tpu.memref_slice %arg6[%add3A_54, %dma_start3A_349] : memref<425984x16xf32, #tpu.memory_space<hbm>> -> memref<1664x16xf32, #tpu.memory_space<hbm>>
      %dma_start3A_351 = arith.constant 0 : i32
      %dma_start3A_352 = arith.constant 0 : i32
      %dma_start3A_353 = tpu.memref_slice %arg10[%run_scoped3A, %dma_start3A_351, %dma_start3A_352] : memref<2x1664x16xf32, #tpu.memory_space<vmem>> -> memref<1x1664x16xf32, #tpu.memory_space<vmem>>
      %dma_start3A_354 = tpu.memref_squeeze %dma_start3A_353 : memref<1x1664x16xf32, #tpu.memory_space<vmem>> -> memref<1664x16xf32, #tpu.memory_space<vmem>>
      tpu.enqueue_dma source(%dma_start3A_354 : memref<1664x16xf32, #tpu.memory_space<vmem>>) target(%dma_start3A_350 : memref<1664x16xf32, #tpu.memory_space<hbm>>) target_semaphore(%run_scoped3A_342 : memref<!tpu.dma_semaphore, #tpu.memory_space<semaphore_mem>>)
      %dma_wait3A_355 = arith.constant 0 : i32
      %dma_wait3A_356 = arith.constant 0 : i32
      %dma_wait3A_357 = tpu.memref_slice %arg10[%run_scoped3A, %dma_wait3A_355, %dma_wait3A_356] : memref<2x1664x16xf32, #tpu.memory_space<vmem>> -> memref<1x1664x16xf32, #tpu.memory_space<vmem>>
      %dma_wait3A_358 = tpu.memref_squeeze %dma_wait3A_357 : memref<1x1664x16xf32, #tpu.memory_space<vmem>> -> memref<1664x16xf32, #tpu.memory_space<vmem>>
      %dma_wait3A_359 = arith.constant 0 : i32
      %dma_wait3A_360 = tpu.memref_slice %arg6[%add3A_54, %dma_wait3A_359] : memref<425984x16xf32, #tpu.memory_space<hbm>> -> memref<1664x16xf32, #tpu.memory_space<hbm>>
      %dma_wait3A_361 = arith.constant 0 : i32
      %dma_wait3A_362 = tpu.memref_slice %arg6[%add3A_54, %dma_wait3A_361] : memref<425984x16xf32, #tpu.memory_space<hbm>> -> memref<1664x16xf32, #tpu.memory_space<hbm>>
      %dma_wait3A_363 = arith.constant 0 : i32
      %dma_wait3A_364 = arith.constant 0 : i32
      %dma_wait3A_365 = tpu.memref_slice %arg10[%run_scoped3A, %dma_wait3A_363, %dma_wait3A_364] : memref<2x1664x16xf32, #tpu.memory_space<vmem>> -> memref<1x1664x16xf32, #tpu.memory_space<vmem>>
      %dma_wait3A_366 = tpu.memref_squeeze %dma_wait3A_365 : memref<1x1664x16xf32, #tpu.memory_space<vmem>> -> memref<1664x16xf32, #tpu.memory_space<vmem>>
      tpu.wait_dma2 semaphore(%run_scoped3A_342 : memref<!tpu.dma_semaphore, #tpu.memory_space<semaphore_mem>>) src(%dma_wait3A_366 : memref<1664x16xf32, #tpu.memory_space<vmem>>) dst(%dma_wait3A_362 : memref<1664x16xf32, #tpu.memory_space<hbm>>)
      tpu.yield
    }) : () -> ()
    %dma_wait3A_55 = arith.constant 0 : i32
    %dma_wait3A_56 = arith.constant 0 : i32
    %dma_wait3A_57 = tpu.memref_slice %arg11[%dma_wait3A_55, %dma_wait3A_56] : memref<2x1664xf32, #tpu.memory_space<vmem>> -> memref<1x1664xf32, #tpu.memory_space<vmem>>
    %dma_wait3A_58 = tpu.memref_squeeze %dma_wait3A_57 : memref<1x1664xf32, #tpu.memory_space<vmem>> -> memref<1664xf32, #tpu.memory_space<vmem>>
    %dma_wait3A_59 = arith.constant 0 : i32
    %dma_wait3A_60 = tpu.memref_slice %arg8[%dma_wait3A_59] : memref<13312xi32, #tpu.memory_space<vmem>> -> memref<1664xi32, #tpu.memory_space<vmem>>
    %dma_wait3A_61 = arith.constant 0 : i32
    %dma_wait3A_62 = tpu.memref_slice %arg5[%dma_wait3A_61] : memref<2600000xf32, #tpu.memory_space<hbm>> -> memref<2600000xf32, #tpu.memory_space<hbm>>
    tpu.wait_indirect_dma semaphore(%arg13 : memref<!tpu.dma_semaphore, #tpu.memory_space<semaphore_mem>>) src(%dma_wait3A_62 : memref<2600000xf32, #tpu.memory_space<hbm>>) dst(%dma_wait3A_58 : memref<1664xf32, #tpu.memory_space<vmem>>)
    %add3A_63 = arith.constant 0 : i32
    %add3A_64 = arith.addi %mul3A_2, %add3A_63 : i32
    %run_scoped3A_65 = arith.constant 0 : i32
    "tpu.region"() ({
      %run_scoped3A_342 = tpu.sem_alloc : memref<!tpu.dma_semaphore, #tpu.memory_space<semaphore_mem>>
      %dma_start3A_343 = arith.constant 0 : i32
      %dma_start3A_344 = tpu.memref_slice %arg11[%run_scoped3A_65, %dma_start3A_343] : memref<2x1664xf32, #tpu.memory_space<vmem>> -> memref<1x1664xf32, #tpu.memory_space<vmem>>
      %dma_start3A_345 = tpu.memref_squeeze %dma_start3A_344 : memref<1x1664xf32, #tpu.memory_space<vmem>> -> memref<1664xf32, #tpu.memory_space<vmem>>
      %dma_start3A_346 = tpu.memref_slice %arg7[%add3A_64] : memref<425984xf32, #tpu.memory_space<hbm>> -> memref<1664xf32, #tpu.memory_space<hbm>>
      %dma_start3A_347 = tpu.memref_slice %arg7[%add3A_64] : memref<425984xf32, #tpu.memory_space<hbm>> -> memref<1664xf32, #tpu.memory_space<hbm>>
      %dma_start3A_348 = arith.constant 0 : i32
      %dma_start3A_349 = tpu.memref_slice %arg11[%run_scoped3A_65, %dma_start3A_348] : memref<2x1664xf32, #tpu.memory_space<vmem>> -> memref<1x1664xf32, #tpu.memory_space<vmem>>
      %dma_start3A_350 = tpu.memref_squeeze %dma_start3A_349 : memref<1x1664xf32, #tpu.memory_space<vmem>> -> memref<1664xf32, #tpu.memory_space<vmem>>
      tpu.enqueue_dma source(%dma_start3A_350 : memref<1664xf32, #tpu.memory_space<vmem>>) target(%dma_start3A_347 : memref<1664xf32, #tpu.memory_space<hbm>>) target_semaphore(%run_scoped3A_342 : memref<!tpu.dma_semaphore, #tpu.memory_space<semaphore_mem>>)
      %dma_wait3A_351 = arith.constant 0 : i32
      %dma_wait3A_352 = tpu.memref_slice %arg11[%run_scoped3A_65, %dma_wait3A_351] : memref<2x1664xf32, #tpu.memory_space<vmem>> -> memref<1x1664xf32, #tpu.memory_space<vmem>>
      %dma_wait3A_353 = tpu.memref_squeeze %dma_wait3A_352 : memref<1x1664xf32, #tpu.memory_space<vmem>> -> memref<1664xf32, #tpu.memory_space<vmem>>
      %dma_wait3A_354 = tpu.memref_slice %arg7[%add3A_64] : memref<425984xf32, #tpu.memory_space<hbm>> -> memref<1664xf32, #tpu.memory_space<hbm>>
      %dma_wait3A_355 = tpu.memref_slice %arg7[%add3A_64] : memref<425984xf32, #tpu.memory_space<hbm>> -> memref<1664xf32, #tpu.memory_space<hbm>>
      %dma_wait3A_356 = arith.constant 0 : i32
      %dma_wait3A_357 = tpu.memref_slice %arg11[%run_scoped3A_65, %dma_wait3A_356] : memref<2x1664xf32, #tpu.memory_space<vmem>> -> memref<1x1664xf32, #tpu.memory_space<vmem>>
      %dma_wait3A_358 = tpu.memref_squeeze %dma_wait3A_357 : memref<1x1664xf32, #tpu.memory_space<vmem>> -> memref<1664xf32, #tpu.memory_space<vmem>>
      tpu.wait_dma2 semaphore(%run_scoped3A_342 : memref<!tpu.dma_semaphore, #tpu.memory_space<semaphore_mem>>) src(%dma_wait3A_358 : memref<1664xf32, #tpu.memory_space<vmem>>) dst(%dma_wait3A_355 : memref<1664xf32, #tpu.memory_space<hbm>>)
      tpu.yield
    }) : () -> ()
    %dma_start3A_66 = arith.constant 0 : i32
    %dma_start3A_67 = arith.constant 0 : i32
    %dma_start3A_68 = arith.constant 0 : i32
    %dma_start3A_69 = tpu.memref_slice %arg10[%dma_start3A_66, %dma_start3A_67, %dma_start3A_68] : memref<2x1664x16xf32, #tpu.memory_space<vmem>> -> memref<1x1664x16xf32, #tpu.memory_space<vmem>>
    %dma_start3A_70 = tpu.memref_squeeze %dma_start3A_69 : memref<1x1664x16xf32, #tpu.memory_space<vmem>> -> memref<1664x16xf32, #tpu.memory_space<vmem>>
    %dma_start3A_71 = arith.constant 3328 : i32
    %dma_start3A_72 = tpu.memref_slice %arg8[%dma_start3A_71] : memref<13312xi32, #tpu.memory_space<vmem>> -> memref<1664xi32, #tpu.memory_space<vmem>>
    %dma_start3A_73 = arith.constant 0 : i32
    %dma_start3A_74 = arith.constant 0 : i32
    %dma_start3A_75 = tpu.memref_slice %arg4[%dma_start3A_73, %dma_start3A_74] : memref<2600000x16xf32, #tpu.memory_space<hbm>> -> memref<2600000x16xf32, #tpu.memory_space<hbm>>
    tpu.enqueue_indirect_dma source(%dma_start3A_75 : memref<2600000x16xf32, #tpu.memory_space<hbm>>) target(%dma_start3A_70 : memref<1664x16xf32, #tpu.memory_space<vmem>>) offsets(%dma_start3A_72 : memref<1664xi32, #tpu.memory_space<vmem>>) semaphore(%arg12 : memref<!tpu.dma_semaphore, #tpu.memory_space<semaphore_mem>>)
    %dma_start3A_76 = arith.constant 0 : i32
    %dma_start3A_77 = arith.constant 0 : i32
    %dma_start3A_78 = tpu.memref_slice %arg11[%dma_start3A_76, %dma_start3A_77] : memref<2x1664xf32, #tpu.memory_space<vmem>> -> memref<1x1664xf32, #tpu.memory_space<vmem>>
    %dma_start3A_79 = tpu.memref_squeeze %dma_start3A_78 : memref<1x1664xf32, #tpu.memory_space<vmem>> -> memref<1664xf32, #tpu.memory_space<vmem>>
    %dma_start3A_80 = arith.constant 3328 : i32
    %dma_start3A_81 = tpu.memref_slice %arg8[%dma_start3A_80] : memref<13312xi32, #tpu.memory_space<vmem>> -> memref<1664xi32, #tpu.memory_space<vmem>>
    %dma_start3A_82 = arith.constant 0 : i32
    %dma_start3A_83 = tpu.memref_slice %arg5[%dma_start3A_82] : memref<2600000xf32, #tpu.memory_space<hbm>> -> memref<2600000xf32, #tpu.memory_space<hbm>>
    tpu.enqueue_indirect_dma source(%dma_start3A_83 : memref<2600000xf32, #tpu.memory_space<hbm>>) target(%dma_start3A_79 : memref<1664xf32, #tpu.memory_space<vmem>>) offsets(%dma_start3A_81 : memref<1664xi32, #tpu.memory_space<vmem>>) semaphore(%arg13 : memref<!tpu.dma_semaphore, #tpu.memory_space<semaphore_mem>>)
    %dma_wait3A_84 = arith.constant 1 : i32
    %dma_wait3A_85 = arith.constant 0 : i32
    %dma_wait3A_86 = arith.constant 0 : i32
    %dma_wait3A_87 = tpu.memref_slice %arg10[%dma_wait3A_84, %dma_wait3A_85, %dma_wait3A_86] : memref<2x1664x16xf32, #tpu.memory_space<vmem>> -> memref<1x1664x16xf32, #tpu.memory_space<vmem>>
    %dma_wait3A_88 = tpu.memref_squeeze %dma_wait3A_87 : memref<1x1664x16xf32, #tpu.memory_space<vmem>> -> memref<1664x16xf32, #tpu.memory_space<vmem>>
    %dma_wait3A_89 = arith.constant 1664 : i32
    %dma_wait3A_90 = tpu.memref_slice %arg8[%dma_wait3A_89] : memref<13312xi32, #tpu.memory_space<vmem>> -> memref<1664xi32, #tpu.memory_space<vmem>>
    %dma_wait3A_91 = arith.constant 0 : i32
    %dma_wait3A_92 = arith.constant 0 : i32
    %dma_wait3A_93 = tpu.memref_slice %arg4[%dma_wait3A_91, %dma_wait3A_92] : memref<2600000x16xf32, #tpu.memory_space<hbm>> -> memref<2600000x16xf32, #tpu.memory_space<hbm>>
    tpu.wait_indirect_dma semaphore(%arg12 : memref<!tpu.dma_semaphore, #tpu.memory_space<semaphore_mem>>) src(%dma_wait3A_93 : memref<2600000x16xf32, #tpu.memory_space<hbm>>) dst(%dma_wait3A_88 : memref<1664x16xf32, #tpu.memory_space<vmem>>)
    %add3A_94 = arith.constant 1664 : i32
    %add3A_95 = arith.addi %mul3A_2, %add3A_94 : i32
    %run_scoped3A_96 = arith.constant 1 : i32
    "tpu.region"() ({
      %run_scoped3A_342 = tpu.sem_alloc : memref<!tpu.dma_semaphore, #tpu.memory_space<semaphore_mem>>
      %dma_start3A_343 = arith.constant 0 : i32
      %dma_start3A_344 = arith.constant 0 : i32
      %dma_start3A_345 = tpu.memref_slice %arg10[%run_scoped3A_96, %dma_start3A_343, %dma_start3A_344] : memref<2x1664x16xf32, #tpu.memory_space<vmem>> -> memref<1x1664x16xf32, #tpu.memory_space<vmem>>
      %dma_start3A_346 = tpu.memref_squeeze %dma_start3A_345 : memref<1x1664x16xf32, #tpu.memory_space<vmem>> -> memref<1664x16xf32, #tpu.memory_space<vmem>>
      %dma_start3A_347 = arith.constant 0 : i32
      %dma_start3A_348 = tpu.memref_slice %arg6[%add3A_95, %dma_start3A_347] : memref<425984x16xf32, #tpu.memory_space<hbm>> -> memref<1664x16xf32, #tpu.memory_space<hbm>>
      %dma_start3A_349 = arith.constant 0 : i32
      %dma_start3A_350 = tpu.memref_slice %arg6[%add3A_95, %dma_start3A_349] : memref<425984x16xf32, #tpu.memory_space<hbm>> -> memref<1664x16xf32, #tpu.memory_space<hbm>>
      %dma_start3A_351 = arith.constant 0 : i32
      %dma_start3A_352 = arith.constant 0 : i32
      %dma_start3A_353 = tpu.memref_slice %arg10[%run_scoped3A_96, %dma_start3A_351, %dma_start3A_352] : memref<2x1664x16xf32, #tpu.memory_space<vmem>> -> memref<1x1664x16xf32, #tpu.memory_space<vmem>>
      %dma_start3A_354 = tpu.memref_squeeze %dma_start3A_353 : memref<1x1664x16xf32, #tpu.memory_space<vmem>> -> memref<1664x16xf32, #tpu.memory_space<vmem>>
      tpu.enqueue_dma source(%dma_start3A_354 : memref<1664x16xf32, #tpu.memory_space<vmem>>) target(%dma_start3A_350 : memref<1664x16xf32, #tpu.memory_space<hbm>>) target_semaphore(%run_scoped3A_342 : memref<!tpu.dma_semaphore, #tpu.memory_space<semaphore_mem>>)
      %dma_wait3A_355 = arith.constant 0 : i32
      %dma_wait3A_356 = arith.constant 0 : i32
      %dma_wait3A_357 = tpu.memref_slice %arg10[%run_scoped3A_96, %dma_wait3A_355, %dma_wait3A_356] : memref<2x1664x16xf32, #tpu.memory_space<vmem>> -> memref<1x1664x16xf32, #tpu.memory_space<vmem>>
      %dma_wait3A_358 = tpu.memref_squeeze %dma_wait3A_357 : memref<1x1664x16xf32, #tpu.memory_space<vmem>> -> memref<1664x16xf32, #tpu.memory_space<vmem>>
      %dma_wait3A_359 = arith.constant 0 : i32
      %dma_wait3A_360 = tpu.memref_slice %arg6[%add3A_95, %dma_wait3A_359] : memref<425984x16xf32, #tpu.memory_space<hbm>> -> memref<1664x16xf32, #tpu.memory_space<hbm>>
      %dma_wait3A_361 = arith.constant 0 : i32
      %dma_wait3A_362 = tpu.memref_slice %arg6[%add3A_95, %dma_wait3A_361] : memref<425984x16xf32, #tpu.memory_space<hbm>> -> memref<1664x16xf32, #tpu.memory_space<hbm>>
      %dma_wait3A_363 = arith.constant 0 : i32
      %dma_wait3A_364 = arith.constant 0 : i32
      %dma_wait3A_365 = tpu.memref_slice %arg10[%run_scoped3A_96, %dma_wait3A_363, %dma_wait3A_364] : memref<2x1664x16xf32, #tpu.memory_space<vmem>> -> memref<1x1664x16xf32, #tpu.memory_space<vmem>>
      %dma_wait3A_366 = tpu.memref_squeeze %dma_wait3A_365 : memref<1x1664x16xf32, #tpu.memory_space<vmem>> -> memref<1664x16xf32, #tpu.memory_space<vmem>>
      tpu.wait_dma2 semaphore(%run_scoped3A_342 : memref<!tpu.dma_semaphore, #tpu.memory_space<semaphore_mem>>) src(%dma_wait3A_366 : memref<1664x16xf32, #tpu.memory_space<vmem>>) dst(%dma_wait3A_362 : memref<1664x16xf32, #tpu.memory_space<hbm>>)
      tpu.yield
    }) : () -> ()
    %dma_wait3A_97 = arith.constant 1 : i32
    %dma_wait3A_98 = arith.constant 0 : i32
    %dma_wait3A_99 = tpu.memref_slice %arg11[%dma_wait3A_97, %dma_wait3A_98] : memref<2x1664xf32, #tpu.memory_space<vmem>> -> memref<1x1664xf32, #tpu.memory_space<vmem>>
    %dma_wait3A_100 = tpu.memref_squeeze %dma_wait3A_99 : memref<1x1664xf32, #tpu.memory_space<vmem>> -> memref<1664xf32, #tpu.memory_space<vmem>>
    %dma_wait3A_101 = arith.constant 1664 : i32
    %dma_wait3A_102 = tpu.memref_slice %arg8[%dma_wait3A_101] : memref<13312xi32, #tpu.memory_space<vmem>> -> memref<1664xi32, #tpu.memory_space<vmem>>
    %dma_wait3A_103 = arith.constant 0 : i32
    %dma_wait3A_104 = tpu.memref_slice %arg5[%dma_wait3A_103] : memref<2600000xf32, #tpu.memory_space<hbm>> -> memref<2600000xf32, #tpu.memory_space<hbm>>
    tpu.wait_indirect_dma semaphore(%arg13 : memref<!tpu.dma_semaphore, #tpu.memory_space<semaphore_mem>>) src(%dma_wait3A_104 : memref<2600000xf32, #tpu.memory_space<hbm>>) dst(%dma_wait3A_100 : memref<1664xf32, #tpu.memory_space<vmem>>)
    %add3A_105 = arith.constant 1664 : i32
    %add3A_106 = arith.addi %mul3A_2, %add3A_105 : i32
    %run_scoped3A_107 = arith.constant 1 : i32
    "tpu.region"() ({
      %run_scoped3A_342 = tpu.sem_alloc : memref<!tpu.dma_semaphore, #tpu.memory_space<semaphore_mem>>
      %dma_start3A_343 = arith.constant 0 : i32
      %dma_start3A_344 = tpu.memref_slice %arg11[%run_scoped3A_107, %dma_start3A_343] : memref<2x1664xf32, #tpu.memory_space<vmem>> -> memref<1x1664xf32, #tpu.memory_space<vmem>>
      %dma_start3A_345 = tpu.memref_squeeze %dma_start3A_344 : memref<1x1664xf32, #tpu.memory_space<vmem>> -> memref<1664xf32, #tpu.memory_space<vmem>>
      %dma_start3A_346 = tpu.memref_slice %arg7[%add3A_106] : memref<425984xf32, #tpu.memory_space<hbm>> -> memref<1664xf32, #tpu.memory_space<hbm>>
      %dma_start3A_347 = tpu.memref_slice %arg7[%add3A_106] : memref<425984xf32, #tpu.memory_space<hbm>> -> memref<1664xf32, #tpu.memory_space<hbm>>
      %dma_start3A_348 = arith.constant 0 : i32
      %dma_start3A_349 = tpu.memref_slice %arg11[%run_scoped3A_107, %dma_start3A_348] : memref<2x1664xf32, #tpu.memory_space<vmem>> -> memref<1x1664xf32, #tpu.memory_space<vmem>>
      %dma_start3A_350 = tpu.memref_squeeze %dma_start3A_349 : memref<1x1664xf32, #tpu.memory_space<vmem>> -> memref<1664xf32, #tpu.memory_space<vmem>>
      tpu.enqueue_dma source(%dma_start3A_350 : memref<1664xf32, #tpu.memory_space<vmem>>) target(%dma_start3A_347 : memref<1664xf32, #tpu.memory_space<hbm>>) target_semaphore(%run_scoped3A_342 : memref<!tpu.dma_semaphore, #tpu.memory_space<semaphore_mem>>)
      %dma_wait3A_351 = arith.constant 0 : i32
      %dma_wait3A_352 = tpu.memref_slice %arg11[%run_scoped3A_107, %dma_wait3A_351] : memref<2x1664xf32, #tpu.memory_space<vmem>> -> memref<1x1664xf32, #tpu.memory_space<vmem>>
      %dma_wait3A_353 = tpu.memref_squeeze %dma_wait3A_352 : memref<1x1664xf32, #tpu.memory_space<vmem>> -> memref<1664xf32, #tpu.memory_space<vmem>>
      %dma_wait3A_354 = tpu.memref_slice %arg7[%add3A_106] : memref<425984xf32, #tpu.memory_space<hbm>> -> memref<1664xf32, #tpu.memory_space<hbm>>
      %dma_wait3A_355 = tpu.memref_slice %arg7[%add3A_106] : memref<425984xf32, #tpu.memory_space<hbm>> -> memref<1664xf32, #tpu.memory_space<hbm>>
      %dma_wait3A_356 = arith.constant 0 : i32
      %dma_wait3A_357 = tpu.memref_slice %arg11[%run_scoped3A_107, %dma_wait3A_356] : memref<2x1664xf32, #tpu.memory_space<vmem>> -> memref<1x1664xf32, #tpu.memory_space<vmem>>
      %dma_wait3A_358 = tpu.memref_squeeze %dma_wait3A_357 : memref<1x1664xf32, #tpu.memory_space<vmem>> -> memref<1664xf32, #tpu.memory_space<vmem>>
      tpu.wait_dma2 semaphore(%run_scoped3A_342 : memref<!tpu.dma_semaphore, #tpu.memory_space<semaphore_mem>>) src(%dma_wait3A_358 : memref<1664xf32, #tpu.memory_space<vmem>>) dst(%dma_wait3A_355 : memref<1664xf32, #tpu.memory_space<hbm>>)
      tpu.yield
    }) : () -> ()
    %dma_start3A_108 = arith.constant 1 : i32
    %dma_start3A_109 = arith.constant 0 : i32
    %dma_start3A_110 = arith.constant 0 : i32
    %dma_start3A_111 = tpu.memref_slice %arg10[%dma_start3A_108, %dma_start3A_109, %dma_start3A_110] : memref<2x1664x16xf32, #tpu.memory_space<vmem>> -> memref<1x1664x16xf32, #tpu.memory_space<vmem>>
    %dma_start3A_112 = tpu.memref_squeeze %dma_start3A_111 : memref<1x1664x16xf32, #tpu.memory_space<vmem>> -> memref<1664x16xf32, #tpu.memory_space<vmem>>
    %dma_start3A_113 = arith.constant 4992 : i32
    %dma_start3A_114 = tpu.memref_slice %arg8[%dma_start3A_113] : memref<13312xi32, #tpu.memory_space<vmem>> -> memref<1664xi32, #tpu.memory_space<vmem>>
    %dma_start3A_115 = arith.constant 0 : i32
    %dma_start3A_116 = arith.constant 0 : i32
    %dma_start3A_117 = tpu.memref_slice %arg4[%dma_start3A_115, %dma_start3A_116] : memref<2600000x16xf32, #tpu.memory_space<hbm>> -> memref<2600000x16xf32, #tpu.memory_space<hbm>>
    tpu.enqueue_indirect_dma source(%dma_start3A_117 : memref<2600000x16xf32, #tpu.memory_space<hbm>>) target(%dma_start3A_112 : memref<1664x16xf32, #tpu.memory_space<vmem>>) offsets(%dma_start3A_114 : memref<1664xi32, #tpu.memory_space<vmem>>) semaphore(%arg12 : memref<!tpu.dma_semaphore, #tpu.memory_space<semaphore_mem>>)
    %dma_start3A_118 = arith.constant 1 : i32
    %dma_start3A_119 = arith.constant 0 : i32
    %dma_start3A_120 = tpu.memref_slice %arg11[%dma_start3A_118, %dma_start3A_119] : memref<2x1664xf32, #tpu.memory_space<vmem>> -> memref<1x1664xf32, #tpu.memory_space<vmem>>
    %dma_start3A_121 = tpu.memref_squeeze %dma_start3A_120 : memref<1x1664xf32, #tpu.memory_space<vmem>> -> memref<1664xf32, #tpu.memory_space<vmem>>
    %dma_start3A_122 = arith.constant 4992 : i32
    %dma_start3A_123 = tpu.memref_slice %arg8[%dma_start3A_122] : memref<13312xi32, #tpu.memory_space<vmem>> -> memref<1664xi32, #tpu.memory_space<vmem>>
    %dma_start3A_124 = arith.constant 0 : i32
    %dma_start3A_125 = tpu.memref_slice %arg5[%dma_start3A_124] : memref<2600000xf32, #tpu.memory_space<hbm>> -> memref<2600000xf32, #tpu.memory_space<hbm>>
    tpu.enqueue_indirect_dma source(%dma_start3A_125 : memref<2600000xf32, #tpu.memory_space<hbm>>) target(%dma_start3A_121 : memref<1664xf32, #tpu.memory_space<vmem>>) offsets(%dma_start3A_123 : memref<1664xi32, #tpu.memory_space<vmem>>) semaphore(%arg13 : memref<!tpu.dma_semaphore, #tpu.memory_space<semaphore_mem>>)
    %dma_wait3A_126 = arith.constant 0 : i32
    %dma_wait3A_127 = arith.constant 0 : i32
    %dma_wait3A_128 = arith.constant 0 : i32
    %dma_wait3A_129 = tpu.memref_slice %arg10[%dma_wait3A_126, %dma_wait3A_127, %dma_wait3A_128] : memref<2x1664x16xf32, #tpu.memory_space<vmem>> -> memref<1x1664x16xf32, #tpu.memory_space<vmem>>
    %dma_wait3A_130 = tpu.memref_squeeze %dma_wait3A_129 : memref<1x1664x16xf32, #tpu.memory_space<vmem>> -> memref<1664x16xf32, #tpu.memory_space<vmem>>
    %dma_wait3A_131 = arith.constant 3328 : i32
    %dma_wait3A_132 = tpu.memref_slice %arg8[%dma_wait3A_131] : memref<13312xi32, #tpu.memory_space<vmem>> -> memref<1664xi32, #tpu.memory_space<vmem>>
    %dma_wait3A_133 = arith.constant 0 : i32
    %dma_wait3A_134 = arith.constant 0 : i32
    %dma_wait3A_135 = tpu.memref_slice %arg4[%dma_wait3A_133, %dma_wait3A_134] : memref<2600000x16xf32, #tpu.memory_space<hbm>> -> memref<2600000x16xf32, #tpu.memory_space<hbm>>
    tpu.wait_indirect_dma semaphore(%arg12 : memref<!tpu.dma_semaphore, #tpu.memory_space<semaphore_mem>>) src(%dma_wait3A_135 : memref<2600000x16xf32, #tpu.memory_space<hbm>>) dst(%dma_wait3A_130 : memref<1664x16xf32, #tpu.memory_space<vmem>>)
    %add3A_136 = arith.constant 3328 : i32
    %add3A_137 = arith.addi %mul3A_2, %add3A_136 : i32
    %run_scoped3A_138 = arith.constant 0 : i32
    "tpu.region"() ({
      %run_scoped3A_342 = tpu.sem_alloc : memref<!tpu.dma_semaphore, #tpu.memory_space<semaphore_mem>>
      %dma_start3A_343 = arith.constant 0 : i32
      %dma_start3A_344 = arith.constant 0 : i32
      %dma_start3A_345 = tpu.memref_slice %arg10[%run_scoped3A_138, %dma_start3A_343, %dma_start3A_344] : memref<2x1664x16xf32, #tpu.memory_space<vmem>> -> memref<1x1664x16xf32, #tpu.memory_space<vmem>>
      %dma_start3A_346 = tpu.memref_squeeze %dma_start3A_345 : memref<1x1664x16xf32, #tpu.memory_space<vmem>> -> memref<1664x16xf32, #tpu.memory_space<vmem>>
      %dma_start3A_347 = arith.constant 0 : i32
      %dma_start3A_348 = tpu.memref_slice %arg6[%add3A_137, %dma_start3A_347] : memref<425984x16xf32, #tpu.memory_space<hbm>> -> memref<1664x16xf32, #tpu.memory_space<hbm>>
      %dma_start3A_349 = arith.constant 0 : i32
      %dma_start3A_350 = tpu.memref_slice %arg6[%add3A_137, %dma_start3A_349] : memref<425984x16xf32, #tpu.memory_space<hbm>> -> memref<1664x16xf32, #tpu.memory_space<hbm>>
      %dma_start3A_351 = arith.constant 0 : i32
      %dma_start3A_352 = arith.constant 0 : i32
      %dma_start3A_353 = tpu.memref_slice %arg10[%run_scoped3A_138, %dma_start3A_351, %dma_start3A_352] : memref<2x1664x16xf32, #tpu.memory_space<vmem>> -> memref<1x1664x16xf32, #tpu.memory_space<vmem>>
      %dma_start3A_354 = tpu.memref_squeeze %dma_start3A_353 : memref<1x1664x16xf32, #tpu.memory_space<vmem>> -> memref<1664x16xf32, #tpu.memory_space<vmem>>
      tpu.enqueue_dma source(%dma_start3A_354 : memref<1664x16xf32, #tpu.memory_space<vmem>>) target(%dma_start3A_350 : memref<1664x16xf32, #tpu.memory_space<hbm>>) target_semaphore(%run_scoped3A_342 : memref<!tpu.dma_semaphore, #tpu.memory_space<semaphore_mem>>)
      %dma_wait3A_355 = arith.constant 0 : i32
      %dma_wait3A_356 = arith.constant 0 : i32
      %dma_wait3A_357 = tpu.memref_slice %arg10[%run_scoped3A_138, %dma_wait3A_355, %dma_wait3A_356] : memref<2x1664x16xf32, #tpu.memory_space<vmem>> -> memref<1x1664x16xf32, #tpu.memory_space<vmem>>
      %dma_wait3A_358 = tpu.memref_squeeze %dma_wait3A_357 : memref<1x1664x16xf32, #tpu.memory_space<vmem>> -> memref<1664x16xf32, #tpu.memory_space<vmem>>
      %dma_wait3A_359 = arith.constant 0 : i32
      %dma_wait3A_360 = tpu.memref_slice %arg6[%add3A_137, %dma_wait3A_359] : memref<425984x16xf32, #tpu.memory_space<hbm>> -> memref<1664x16xf32, #tpu.memory_space<hbm>>
      %dma_wait3A_361 = arith.constant 0 : i32
      %dma_wait3A_362 = tpu.memref_slice %arg6[%add3A_137, %dma_wait3A_361] : memref<425984x16xf32, #tpu.memory_space<hbm>> -> memref<1664x16xf32, #tpu.memory_space<hbm>>
      %dma_wait3A_363 = arith.constant 0 : i32
      %dma_wait3A_364 = arith.constant 0 : i32
      %dma_wait3A_365 = tpu.memref_slice %arg10[%run_scoped3A_138, %dma_wait3A_363, %dma_wait3A_364] : memref<2x1664x16xf32, #tpu.memory_space<vmem>> -> memref<1x1664x16xf32, #tpu.memory_space<vmem>>
      %dma_wait3A_366 = tpu.memref_squeeze %dma_wait3A_365 : memref<1x1664x16xf32, #tpu.memory_space<vmem>> -> memref<1664x16xf32, #tpu.memory_space<vmem>>
      tpu.wait_dma2 semaphore(%run_scoped3A_342 : memref<!tpu.dma_semaphore, #tpu.memory_space<semaphore_mem>>) src(%dma_wait3A_366 : memref<1664x16xf32, #tpu.memory_space<vmem>>) dst(%dma_wait3A_362 : memref<1664x16xf32, #tpu.memory_space<hbm>>)
      tpu.yield
    }) : () -> ()
    %dma_wait3A_139 = arith.constant 0 : i32
    %dma_wait3A_140 = arith.constant 0 : i32
    %dma_wait3A_141 = tpu.memref_slice %arg11[%dma_wait3A_139, %dma_wait3A_140] : memref<2x1664xf32, #tpu.memory_space<vmem>> -> memref<1x1664xf32, #tpu.memory_space<vmem>>
    %dma_wait3A_142 = tpu.memref_squeeze %dma_wait3A_141 : memref<1x1664xf32, #tpu.memory_space<vmem>> -> memref<1664xf32, #tpu.memory_space<vmem>>
    %dma_wait3A_143 = arith.constant 3328 : i32
    %dma_wait3A_144 = tpu.memref_slice %arg8[%dma_wait3A_143] : memref<13312xi32, #tpu.memory_space<vmem>> -> memref<1664xi32, #tpu.memory_space<vmem>>
    %dma_wait3A_145 = arith.constant 0 : i32
    %dma_wait3A_146 = tpu.memref_slice %arg5[%dma_wait3A_145] : memref<2600000xf32, #tpu.memory_space<hbm>> -> memref<2600000xf32, #tpu.memory_space<hbm>>
    tpu.wait_indirect_dma semaphore(%arg13 : memref<!tpu.dma_semaphore, #tpu.memory_space<semaphore_mem>>) src(%dma_wait3A_146 : memref<2600000xf32, #tpu.memory_space<hbm>>) dst(%dma_wait3A_142 : memref<1664xf32, #tpu.memory_space<vmem>>)
    %add3A_147 = arith.constant 3328 : i32
    %add3A_148 = arith.addi %mul3A_2, %add3A_147 : i32
    %run_scoped3A_149 = arith.constant 0 : i32
    "tpu.region"() ({
      %run_scoped3A_342 = tpu.sem_alloc : memref<!tpu.dma_semaphore, #tpu.memory_space<semaphore_mem>>
      %dma_start3A_343 = arith.constant 0 : i32
      %dma_start3A_344 = tpu.memref_slice %arg11[%run_scoped3A_149, %dma_start3A_343] : memref<2x1664xf32, #tpu.memory_space<vmem>> -> memref<1x1664xf32, #tpu.memory_space<vmem>>
      %dma_start3A_345 = tpu.memref_squeeze %dma_start3A_344 : memref<1x1664xf32, #tpu.memory_space<vmem>> -> memref<1664xf32, #tpu.memory_space<vmem>>
      %dma_start3A_346 = tpu.memref_slice %arg7[%add3A_148] : memref<425984xf32, #tpu.memory_space<hbm>> -> memref<1664xf32, #tpu.memory_space<hbm>>
      %dma_start3A_347 = tpu.memref_slice %arg7[%add3A_148] : memref<425984xf32, #tpu.memory_space<hbm>> -> memref<1664xf32, #tpu.memory_space<hbm>>
      %dma_start3A_348 = arith.constant 0 : i32
      %dma_start3A_349 = tpu.memref_slice %arg11[%run_scoped3A_149, %dma_start3A_348] : memref<2x1664xf32, #tpu.memory_space<vmem>> -> memref<1x1664xf32, #tpu.memory_space<vmem>>
      %dma_start3A_350 = tpu.memref_squeeze %dma_start3A_349 : memref<1x1664xf32, #tpu.memory_space<vmem>> -> memref<1664xf32, #tpu.memory_space<vmem>>
      tpu.enqueue_dma source(%dma_start3A_350 : memref<1664xf32, #tpu.memory_space<vmem>>) target(%dma_start3A_347 : memref<1664xf32, #tpu.memory_space<hbm>>) target_semaphore(%run_scoped3A_342 : memref<!tpu.dma_semaphore, #tpu.memory_space<semaphore_mem>>)
      %dma_wait3A_351 = arith.constant 0 : i32
      %dma_wait3A_352 = tpu.memref_slice %arg11[%run_scoped3A_149, %dma_wait3A_351] : memref<2x1664xf32, #tpu.memory_space<vmem>> -> memref<1x1664xf32, #tpu.memory_space<vmem>>
      %dma_wait3A_353 = tpu.memref_squeeze %dma_wait3A_352 : memref<1x1664xf32, #tpu.memory_space<vmem>> -> memref<1664xf32, #tpu.memory_space<vmem>>
      %dma_wait3A_354 = tpu.memref_slice %arg7[%add3A_148] : memref<425984xf32, #tpu.memory_space<hbm>> -> memref<1664xf32, #tpu.memory_space<hbm>>
      %dma_wait3A_355 = tpu.memref_slice %arg7[%add3A_148] : memref<425984xf32, #tpu.memory_space<hbm>> -> memref<1664xf32, #tpu.memory_space<hbm>>
      %dma_wait3A_356 = arith.constant 0 : i32
      %dma_wait3A_357 = tpu.memref_slice %arg11[%run_scoped3A_149, %dma_wait3A_356] : memref<2x1664xf32, #tpu.memory_space<vmem>> -> memref<1x1664xf32, #tpu.memory_space<vmem>>
      %dma_wait3A_358 = tpu.memref_squeeze %dma_wait3A_357 : memref<1x1664xf32, #tpu.memory_space<vmem>> -> memref<1664xf32, #tpu.memory_space<vmem>>
      tpu.wait_dma2 semaphore(%run_scoped3A_342 : memref<!tpu.dma_semaphore, #tpu.memory_space<semaphore_mem>>) src(%dma_wait3A_358 : memref<1664xf32, #tpu.memory_space<vmem>>) dst(%dma_wait3A_355 : memref<1664xf32, #tpu.memory_space<hbm>>)
      tpu.yield
    }) : () -> ()
    %dma_start3A_150 = arith.constant 0 : i32
    %dma_start3A_151 = arith.constant 0 : i32
    %dma_start3A_152 = arith.constant 0 : i32
    %dma_start3A_153 = tpu.memref_slice %arg10[%dma_start3A_150, %dma_start3A_151, %dma_start3A_152] : memref<2x1664x16xf32, #tpu.memory_space<vmem>> -> memref<1x1664x16xf32, #tpu.memory_space<vmem>>
    %dma_start3A_154 = tpu.memref_squeeze %dma_start3A_153 : memref<1x1664x16xf32, #tpu.memory_space<vmem>> -> memref<1664x16xf32, #tpu.memory_space<vmem>>
    %dma_start3A_155 = arith.constant 6656 : i32
    %dma_start3A_156 = tpu.memref_slice %arg8[%dma_start3A_155] : memref<13312xi32, #tpu.memory_space<vmem>> -> memref<1664xi32, #tpu.memory_space<vmem>>
    %dma_start3A_157 = arith.constant 0 : i32
    %dma_start3A_158 = arith.constant 0 : i32
    %dma_start3A_159 = tpu.memref_slice %arg4[%dma_start3A_157, %dma_start3A_158] : memref<2600000x16xf32, #tpu.memory_space<hbm>> -> memref<2600000x16xf32, #tpu.memory_space<hbm>>
    tpu.enqueue_indirect_dma source(%dma_start3A_159 : memref<2600000x16xf32, #tpu.memory_space<hbm>>) target(%dma_start3A_154 : memref<1664x16xf32, #tpu.memory_space<vmem>>) offsets(%dma_start3A_156 : memref<1664xi32, #tpu.memory_space<vmem>>) semaphore(%arg12 : memref<!tpu.dma_semaphore, #tpu.memory_space<semaphore_mem>>)
    %dma_start3A_160 = arith.constant 0 : i32
    %dma_start3A_161 = arith.constant 0 : i32
    %dma_start3A_162 = tpu.memref_slice %arg11[%dma_start3A_160, %dma_start3A_161] : memref<2x1664xf32, #tpu.memory_space<vmem>> -> memref<1x1664xf32, #tpu.memory_space<vmem>>
    %dma_start3A_163 = tpu.memref_squeeze %dma_start3A_162 : memref<1x1664xf32, #tpu.memory_space<vmem>> -> memref<1664xf32, #tpu.memory_space<vmem>>
    %dma_start3A_164 = arith.constant 6656 : i32
    %dma_start3A_165 = tpu.memref_slice %arg8[%dma_start3A_164] : memref<13312xi32, #tpu.memory_space<vmem>> -> memref<1664xi32, #tpu.memory_space<vmem>>
    %dma_start3A_166 = arith.constant 0 : i32
    %dma_start3A_167 = tpu.memref_slice %arg5[%dma_start3A_166] : memref<2600000xf32, #tpu.memory_space<hbm>> -> memref<2600000xf32, #tpu.memory_space<hbm>>
    tpu.enqueue_indirect_dma source(%dma_start3A_167 : memref<2600000xf32, #tpu.memory_space<hbm>>) target(%dma_start3A_163 : memref<1664xf32, #tpu.memory_space<vmem>>) offsets(%dma_start3A_165 : memref<1664xi32, #tpu.memory_space<vmem>>) semaphore(%arg13 : memref<!tpu.dma_semaphore, #tpu.memory_space<semaphore_mem>>)
    %dma_wait3A_168 = arith.constant 1 : i32
    %dma_wait3A_169 = arith.constant 0 : i32
    %dma_wait3A_170 = arith.constant 0 : i32
    %dma_wait3A_171 = tpu.memref_slice %arg10[%dma_wait3A_168, %dma_wait3A_169, %dma_wait3A_170] : memref<2x1664x16xf32, #tpu.memory_space<vmem>> -> memref<1x1664x16xf32, #tpu.memory_space<vmem>>
    %dma_wait3A_172 = tpu.memref_squeeze %dma_wait3A_171 : memref<1x1664x16xf32, #tpu.memory_space<vmem>> -> memref<1664x16xf32, #tpu.memory_space<vmem>>
    %dma_wait3A_173 = arith.constant 4992 : i32
    %dma_wait3A_174 = tpu.memref_slice %arg8[%dma_wait3A_173] : memref<13312xi32, #tpu.memory_space<vmem>> -> memref<1664xi32, #tpu.memory_space<vmem>>
    %dma_wait3A_175 = arith.constant 0 : i32
    %dma_wait3A_176 = arith.constant 0 : i32
    %dma_wait3A_177 = tpu.memref_slice %arg4[%dma_wait3A_175, %dma_wait3A_176] : memref<2600000x16xf32, #tpu.memory_space<hbm>> -> memref<2600000x16xf32, #tpu.memory_space<hbm>>
    tpu.wait_indirect_dma semaphore(%arg12 : memref<!tpu.dma_semaphore, #tpu.memory_space<semaphore_mem>>) src(%dma_wait3A_177 : memref<2600000x16xf32, #tpu.memory_space<hbm>>) dst(%dma_wait3A_172 : memref<1664x16xf32, #tpu.memory_space<vmem>>)
    %add3A_178 = arith.constant 4992 : i32
    %add3A_179 = arith.addi %mul3A_2, %add3A_178 : i32
    %run_scoped3A_180 = arith.constant 1 : i32
    "tpu.region"() ({
      %run_scoped3A_342 = tpu.sem_alloc : memref<!tpu.dma_semaphore, #tpu.memory_space<semaphore_mem>>
      %dma_start3A_343 = arith.constant 0 : i32
      %dma_start3A_344 = arith.constant 0 : i32
      %dma_start3A_345 = tpu.memref_slice %arg10[%run_scoped3A_180, %dma_start3A_343, %dma_start3A_344] : memref<2x1664x16xf32, #tpu.memory_space<vmem>> -> memref<1x1664x16xf32, #tpu.memory_space<vmem>>
      %dma_start3A_346 = tpu.memref_squeeze %dma_start3A_345 : memref<1x1664x16xf32, #tpu.memory_space<vmem>> -> memref<1664x16xf32, #tpu.memory_space<vmem>>
      %dma_start3A_347 = arith.constant 0 : i32
      %dma_start3A_348 = tpu.memref_slice %arg6[%add3A_179, %dma_start3A_347] : memref<425984x16xf32, #tpu.memory_space<hbm>> -> memref<1664x16xf32, #tpu.memory_space<hbm>>
      %dma_start3A_349 = arith.constant 0 : i32
      %dma_start3A_350 = tpu.memref_slice %arg6[%add3A_179, %dma_start3A_349] : memref<425984x16xf32, #tpu.memory_space<hbm>> -> memref<1664x16xf32, #tpu.memory_space<hbm>>
      %dma_start3A_351 = arith.constant 0 : i32
      %dma_start3A_352 = arith.constant 0 : i32
      %dma_start3A_353 = tpu.memref_slice %arg10[%run_scoped3A_180, %dma_start3A_351, %dma_start3A_352] : memref<2x1664x16xf32, #tpu.memory_space<vmem>> -> memref<1x1664x16xf32, #tpu.memory_space<vmem>>
      %dma_start3A_354 = tpu.memref_squeeze %dma_start3A_353 : memref<1x1664x16xf32, #tpu.memory_space<vmem>> -> memref<1664x16xf32, #tpu.memory_space<vmem>>
      tpu.enqueue_dma source(%dma_start3A_354 : memref<1664x16xf32, #tpu.memory_space<vmem>>) target(%dma_start3A_350 : memref<1664x16xf32, #tpu.memory_space<hbm>>) target_semaphore(%run_scoped3A_342 : memref<!tpu.dma_semaphore, #tpu.memory_space<semaphore_mem>>)
      %dma_wait3A_355 = arith.constant 0 : i32
      %dma_wait3A_356 = arith.constant 0 : i32
      %dma_wait3A_357 = tpu.memref_slice %arg10[%run_scoped3A_180, %dma_wait3A_355, %dma_wait3A_356] : memref<2x1664x16xf32, #tpu.memory_space<vmem>> -> memref<1x1664x16xf32, #tpu.memory_space<vmem>>
      %dma_wait3A_358 = tpu.memref_squeeze %dma_wait3A_357 : memref<1x1664x16xf32, #tpu.memory_space<vmem>> -> memref<1664x16xf32, #tpu.memory_space<vmem>>
      %dma_wait3A_359 = arith.constant 0 : i32
      %dma_wait3A_360 = tpu.memref_slice %arg6[%add3A_179, %dma_wait3A_359] : memref<425984x16xf32, #tpu.memory_space<hbm>> -> memref<1664x16xf32, #tpu.memory_space<hbm>>
      %dma_wait3A_361 = arith.constant 0 : i32
      %dma_wait3A_362 = tpu.memref_slice %arg6[%add3A_179, %dma_wait3A_361] : memref<425984x16xf32, #tpu.memory_space<hbm>> -> memref<1664x16xf32, #tpu.memory_space<hbm>>
      %dma_wait3A_363 = arith.constant 0 : i32
      %dma_wait3A_364 = arith.constant 0 : i32
      %dma_wait3A_365 = tpu.memref_slice %arg10[%run_scoped3A_180, %dma_wait3A_363, %dma_wait3A_364] : memref<2x1664x16xf32, #tpu.memory_space<vmem>> -> memref<1x1664x16xf32, #tpu.memory_space<vmem>>
      %dma_wait3A_366 = tpu.memref_squeeze %dma_wait3A_365 : memref<1x1664x16xf32, #tpu.memory_space<vmem>> -> memref<1664x16xf32, #tpu.memory_space<vmem>>
      tpu.wait_dma2 semaphore(%run_scoped3A_342 : memref<!tpu.dma_semaphore, #tpu.memory_space<semaphore_mem>>) src(%dma_wait3A_366 : memref<1664x16xf32, #tpu.memory_space<vmem>>) dst(%dma_wait3A_362 : memref<1664x16xf32, #tpu.memory_space<hbm>>)
      tpu.yield
    }) : () -> ()
    %dma_wait3A_181 = arith.constant 1 : i32
    %dma_wait3A_182 = arith.constant 0 : i32
    %dma_wait3A_183 = tpu.memref_slice %arg11[%dma_wait3A_181, %dma_wait3A_182] : memref<2x1664xf32, #tpu.memory_space<vmem>> -> memref<1x1664xf32, #tpu.memory_space<vmem>>
    %dma_wait3A_184 = tpu.memref_squeeze %dma_wait3A_183 : memref<1x1664xf32, #tpu.memory_space<vmem>> -> memref<1664xf32, #tpu.memory_space<vmem>>
    %dma_wait3A_185 = arith.constant 4992 : i32
    %dma_wait3A_186 = tpu.memref_slice %arg8[%dma_wait3A_185] : memref<13312xi32, #tpu.memory_space<vmem>> -> memref<1664xi32, #tpu.memory_space<vmem>>
    %dma_wait3A_187 = arith.constant 0 : i32
    %dma_wait3A_188 = tpu.memref_slice %arg5[%dma_wait3A_187] : memref<2600000xf32, #tpu.memory_space<hbm>> -> memref<2600000xf32, #tpu.memory_space<hbm>>
    tpu.wait_indirect_dma semaphore(%arg13 : memref<!tpu.dma_semaphore, #tpu.memory_space<semaphore_mem>>) src(%dma_wait3A_188 : memref<2600000xf32, #tpu.memory_space<hbm>>) dst(%dma_wait3A_184 : memref<1664xf32, #tpu.memory_space<vmem>>)
    %add3A_189 = arith.constant 4992 : i32
    %add3A_190 = arith.addi %mul3A_2, %add3A_189 : i32
    %run_scoped3A_191 = arith.constant 1 : i32
    "tpu.region"() ({
      %run_scoped3A_342 = tpu.sem_alloc : memref<!tpu.dma_semaphore, #tpu.memory_space<semaphore_mem>>
      %dma_start3A_343 = arith.constant 0 : i32
      %dma_start3A_344 = tpu.memref_slice %arg11[%run_scoped3A_191, %dma_start3A_343] : memref<2x1664xf32, #tpu.memory_space<vmem>> -> memref<1x1664xf32, #tpu.memory_space<vmem>>
      %dma_start3A_345 = tpu.memref_squeeze %dma_start3A_344 : memref<1x1664xf32, #tpu.memory_space<vmem>> -> memref<1664xf32, #tpu.memory_space<vmem>>
      %dma_start3A_346 = tpu.memref_slice %arg7[%add3A_190] : memref<425984xf32, #tpu.memory_space<hbm>> -> memref<1664xf32, #tpu.memory_space<hbm>>
      %dma_start3A_347 = tpu.memref_slice %arg7[%add3A_190] : memref<425984xf32, #tpu.memory_space<hbm>> -> memref<1664xf32, #tpu.memory_space<hbm>>
      %dma_start3A_348 = arith.constant 0 : i32
      %dma_start3A_349 = tpu.memref_slice %arg11[%run_scoped3A_191, %dma_start3A_348] : memref<2x1664xf32, #tpu.memory_space<vmem>> -> memref<1x1664xf32, #tpu.memory_space<vmem>>
      %dma_start3A_350 = tpu.memref_squeeze %dma_start3A_349 : memref<1x1664xf32, #tpu.memory_space<vmem>> -> memref<1664xf32, #tpu.memory_space<vmem>>
      tpu.enqueue_dma source(%dma_start3A_350 : memref<1664xf32, #tpu.memory_space<vmem>>) target(%dma_start3A_347 : memref<1664xf32, #tpu.memory_space<hbm>>) target_semaphore(%run_scoped3A_342 : memref<!tpu.dma_semaphore, #tpu.memory_space<semaphore_mem>>)
      %dma_wait3A_351 = arith.constant 0 : i32
      %dma_wait3A_352 = tpu.memref_slice %arg11[%run_scoped3A_191, %dma_wait3A_351] : memref<2x1664xf32, #tpu.memory_space<vmem>> -> memref<1x1664xf32, #tpu.memory_space<vmem>>
      %dma_wait3A_353 = tpu.memref_squeeze %dma_wait3A_352 : memref<1x1664xf32, #tpu.memory_space<vmem>> -> memref<1664xf32, #tpu.memory_space<vmem>>
      %dma_wait3A_354 = tpu.memref_slice %arg7[%add3A_190] : memref<425984xf32, #tpu.memory_space<hbm>> -> memref<1664xf32, #tpu.memory_space<hbm>>
      %dma_wait3A_355 = tpu.memref_slice %arg7[%add3A_190] : memref<425984xf32, #tpu.memory_space<hbm>> -> memref<1664xf32, #tpu.memory_space<hbm>>
      %dma_wait3A_356 = arith.constant 0 : i32
      %dma_wait3A_357 = tpu.memref_slice %arg11[%run_scoped3A_191, %dma_wait3A_356] : memref<2x1664xf32, #tpu.memory_space<vmem>> -> memref<1x1664xf32, #tpu.memory_space<vmem>>
      %dma_wait3A_358 = tpu.memref_squeeze %dma_wait3A_357 : memref<1x1664xf32, #tpu.memory_space<vmem>> -> memref<1664xf32, #tpu.memory_space<vmem>>
      tpu.wait_dma2 semaphore(%run_scoped3A_342 : memref<!tpu.dma_semaphore, #tpu.memory_space<semaphore_mem>>) src(%dma_wait3A_358 : memref<1664xf32, #tpu.memory_space<vmem>>) dst(%dma_wait3A_355 : memref<1664xf32, #tpu.memory_space<hbm>>)
      tpu.yield
    }) : () -> ()
    %dma_start3A_192 = arith.constant 1 : i32
    %dma_start3A_193 = arith.constant 0 : i32
    %dma_start3A_194 = arith.constant 0 : i32
    %dma_start3A_195 = tpu.memref_slice %arg10[%dma_start3A_192, %dma_start3A_193, %dma_start3A_194] : memref<2x1664x16xf32, #tpu.memory_space<vmem>> -> memref<1x1664x16xf32, #tpu.memory_space<vmem>>
    %dma_start3A_196 = tpu.memref_squeeze %dma_start3A_195 : memref<1x1664x16xf32, #tpu.memory_space<vmem>> -> memref<1664x16xf32, #tpu.memory_space<vmem>>
    %dma_start3A_197 = arith.constant 8320 : i32
    %dma_start3A_198 = tpu.memref_slice %arg8[%dma_start3A_197] : memref<13312xi32, #tpu.memory_space<vmem>> -> memref<1664xi32, #tpu.memory_space<vmem>>
    %dma_start3A_199 = arith.constant 0 : i32
    %dma_start3A_200 = arith.constant 0 : i32
    %dma_start3A_201 = tpu.memref_slice %arg4[%dma_start3A_199, %dma_start3A_200] : memref<2600000x16xf32, #tpu.memory_space<hbm>> -> memref<2600000x16xf32, #tpu.memory_space<hbm>>
    tpu.enqueue_indirect_dma source(%dma_start3A_201 : memref<2600000x16xf32, #tpu.memory_space<hbm>>) target(%dma_start3A_196 : memref<1664x16xf32, #tpu.memory_space<vmem>>) offsets(%dma_start3A_198 : memref<1664xi32, #tpu.memory_space<vmem>>) semaphore(%arg12 : memref<!tpu.dma_semaphore, #tpu.memory_space<semaphore_mem>>)
    %dma_start3A_202 = arith.constant 1 : i32
    %dma_start3A_203 = arith.constant 0 : i32
    %dma_start3A_204 = tpu.memref_slice %arg11[%dma_start3A_202, %dma_start3A_203] : memref<2x1664xf32, #tpu.memory_space<vmem>> -> memref<1x1664xf32, #tpu.memory_space<vmem>>
    %dma_start3A_205 = tpu.memref_squeeze %dma_start3A_204 : memref<1x1664xf32, #tpu.memory_space<vmem>> -> memref<1664xf32, #tpu.memory_space<vmem>>
    %dma_start3A_206 = arith.constant 8320 : i32
    %dma_start3A_207 = tpu.memref_slice %arg8[%dma_start3A_206] : memref<13312xi32, #tpu.memory_space<vmem>> -> memref<1664xi32, #tpu.memory_space<vmem>>
    %dma_start3A_208 = arith.constant 0 : i32
    %dma_start3A_209 = tpu.memref_slice %arg5[%dma_start3A_208] : memref<2600000xf32, #tpu.memory_space<hbm>> -> memref<2600000xf32, #tpu.memory_space<hbm>>
    tpu.enqueue_indirect_dma source(%dma_start3A_209 : memref<2600000xf32, #tpu.memory_space<hbm>>) target(%dma_start3A_205 : memref<1664xf32, #tpu.memory_space<vmem>>) offsets(%dma_start3A_207 : memref<1664xi32, #tpu.memory_space<vmem>>) semaphore(%arg13 : memref<!tpu.dma_semaphore, #tpu.memory_space<semaphore_mem>>)
    %dma_wait3A_210 = arith.constant 0 : i32
    %dma_wait3A_211 = arith.constant 0 : i32
    %dma_wait3A_212 = arith.constant 0 : i32
    %dma_wait3A_213 = tpu.memref_slice %arg10[%dma_wait3A_210, %dma_wait3A_211, %dma_wait3A_212] : memref<2x1664x16xf32, #tpu.memory_space<vmem>> -> memref<1x1664x16xf32, #tpu.memory_space<vmem>>
    %dma_wait3A_214 = tpu.memref_squeeze %dma_wait3A_213 : memref<1x1664x16xf32, #tpu.memory_space<vmem>> -> memref<1664x16xf32, #tpu.memory_space<vmem>>
    %dma_wait3A_215 = arith.constant 6656 : i32
    %dma_wait3A_216 = tpu.memref_slice %arg8[%dma_wait3A_215] : memref<13312xi32, #tpu.memory_space<vmem>> -> memref<1664xi32, #tpu.memory_space<vmem>>
    %dma_wait3A_217 = arith.constant 0 : i32
    %dma_wait3A_218 = arith.constant 0 : i32
    %dma_wait3A_219 = tpu.memref_slice %arg4[%dma_wait3A_217, %dma_wait3A_218] : memref<2600000x16xf32, #tpu.memory_space<hbm>> -> memref<2600000x16xf32, #tpu.memory_space<hbm>>
    tpu.wait_indirect_dma semaphore(%arg12 : memref<!tpu.dma_semaphore, #tpu.memory_space<semaphore_mem>>) src(%dma_wait3A_219 : memref<2600000x16xf32, #tpu.memory_space<hbm>>) dst(%dma_wait3A_214 : memref<1664x16xf32, #tpu.memory_space<vmem>>)
    %add3A_220 = arith.constant 6656 : i32
    %add3A_221 = arith.addi %mul3A_2, %add3A_220 : i32
    %run_scoped3A_222 = arith.constant 0 : i32
    "tpu.region"() ({
      %run_scoped3A_342 = tpu.sem_alloc : memref<!tpu.dma_semaphore, #tpu.memory_space<semaphore_mem>>
      %dma_start3A_343 = arith.constant 0 : i32
      %dma_start3A_344 = arith.constant 0 : i32
      %dma_start3A_345 = tpu.memref_slice %arg10[%run_scoped3A_222, %dma_start3A_343, %dma_start3A_344] : memref<2x1664x16xf32, #tpu.memory_space<vmem>> -> memref<1x1664x16xf32, #tpu.memory_space<vmem>>
      %dma_start3A_346 = tpu.memref_squeeze %dma_start3A_345 : memref<1x1664x16xf32, #tpu.memory_space<vmem>> -> memref<1664x16xf32, #tpu.memory_space<vmem>>
      %dma_start3A_347 = arith.constant 0 : i32
      %dma_start3A_348 = tpu.memref_slice %arg6[%add3A_221, %dma_start3A_347] : memref<425984x16xf32, #tpu.memory_space<hbm>> -> memref<1664x16xf32, #tpu.memory_space<hbm>>
      %dma_start3A_349 = arith.constant 0 : i32
      %dma_start3A_350 = tpu.memref_slice %arg6[%add3A_221, %dma_start3A_349] : memref<425984x16xf32, #tpu.memory_space<hbm>> -> memref<1664x16xf32, #tpu.memory_space<hbm>>
      %dma_start3A_351 = arith.constant 0 : i32
      %dma_start3A_352 = arith.constant 0 : i32
      %dma_start3A_353 = tpu.memref_slice %arg10[%run_scoped3A_222, %dma_start3A_351, %dma_start3A_352] : memref<2x1664x16xf32, #tpu.memory_space<vmem>> -> memref<1x1664x16xf32, #tpu.memory_space<vmem>>
      %dma_start3A_354 = tpu.memref_squeeze %dma_start3A_353 : memref<1x1664x16xf32, #tpu.memory_space<vmem>> -> memref<1664x16xf32, #tpu.memory_space<vmem>>
      tpu.enqueue_dma source(%dma_start3A_354 : memref<1664x16xf32, #tpu.memory_space<vmem>>) target(%dma_start3A_350 : memref<1664x16xf32, #tpu.memory_space<hbm>>) target_semaphore(%run_scoped3A_342 : memref<!tpu.dma_semaphore, #tpu.memory_space<semaphore_mem>>)
      %dma_wait3A_355 = arith.constant 0 : i32
      %dma_wait3A_356 = arith.constant 0 : i32
      %dma_wait3A_357 = tpu.memref_slice %arg10[%run_scoped3A_222, %dma_wait3A_355, %dma_wait3A_356] : memref<2x1664x16xf32, #tpu.memory_space<vmem>> -> memref<1x1664x16xf32, #tpu.memory_space<vmem>>
      %dma_wait3A_358 = tpu.memref_squeeze %dma_wait3A_357 : memref<1x1664x16xf32, #tpu.memory_space<vmem>> -> memref<1664x16xf32, #tpu.memory_space<vmem>>
      %dma_wait3A_359 = arith.constant 0 : i32
      %dma_wait3A_360 = tpu.memref_slice %arg6[%add3A_221, %dma_wait3A_359] : memref<425984x16xf32, #tpu.memory_space<hbm>> -> memref<1664x16xf32, #tpu.memory_space<hbm>>
      %dma_wait3A_361 = arith.constant 0 : i32
      %dma_wait3A_362 = tpu.memref_slice %arg6[%add3A_221, %dma_wait3A_361] : memref<425984x16xf32, #tpu.memory_space<hbm>> -> memref<1664x16xf32, #tpu.memory_space<hbm>>
      %dma_wait3A_363 = arith.constant 0 : i32
      %dma_wait3A_364 = arith.constant 0 : i32
      %dma_wait3A_365 = tpu.memref_slice %arg10[%run_scoped3A_222, %dma_wait3A_363, %dma_wait3A_364] : memref<2x1664x16xf32, #tpu.memory_space<vmem>> -> memref<1x1664x16xf32, #tpu.memory_space<vmem>>
      %dma_wait3A_366 = tpu.memref_squeeze %dma_wait3A_365 : memref<1x1664x16xf32, #tpu.memory_space<vmem>> -> memref<1664x16xf32, #tpu.memory_space<vmem>>
      tpu.wait_dma2 semaphore(%run_scoped3A_342 : memref<!tpu.dma_semaphore, #tpu.memory_space<semaphore_mem>>) src(%dma_wait3A_366 : memref<1664x16xf32, #tpu.memory_space<vmem>>) dst(%dma_wait3A_362 : memref<1664x16xf32, #tpu.memory_space<hbm>>)
      tpu.yield
    }) : () -> ()
    %dma_wait3A_223 = arith.constant 0 : i32
    %dma_wait3A_224 = arith.constant 0 : i32
    %dma_wait3A_225 = tpu.memref_slice %arg11[%dma_wait3A_223, %dma_wait3A_224] : memref<2x1664xf32, #tpu.memory_space<vmem>> -> memref<1x1664xf32, #tpu.memory_space<vmem>>
    %dma_wait3A_226 = tpu.memref_squeeze %dma_wait3A_225 : memref<1x1664xf32, #tpu.memory_space<vmem>> -> memref<1664xf32, #tpu.memory_space<vmem>>
    %dma_wait3A_227 = arith.constant 6656 : i32
    %dma_wait3A_228 = tpu.memref_slice %arg8[%dma_wait3A_227] : memref<13312xi32, #tpu.memory_space<vmem>> -> memref<1664xi32, #tpu.memory_space<vmem>>
    %dma_wait3A_229 = arith.constant 0 : i32
    %dma_wait3A_230 = tpu.memref_slice %arg5[%dma_wait3A_229] : memref<2600000xf32, #tpu.memory_space<hbm>> -> memref<2600000xf32, #tpu.memory_space<hbm>>
    tpu.wait_indirect_dma semaphore(%arg13 : memref<!tpu.dma_semaphore, #tpu.memory_space<semaphore_mem>>) src(%dma_wait3A_230 : memref<2600000xf32, #tpu.memory_space<hbm>>) dst(%dma_wait3A_226 : memref<1664xf32, #tpu.memory_space<vmem>>)
    %add3A_231 = arith.constant 6656 : i32
    %add3A_232 = arith.addi %mul3A_2, %add3A_231 : i32
    %run_scoped3A_233 = arith.constant 0 : i32
    "tpu.region"() ({
      %run_scoped3A_342 = tpu.sem_alloc : memref<!tpu.dma_semaphore, #tpu.memory_space<semaphore_mem>>
      %dma_start3A_343 = arith.constant 0 : i32
      %dma_start3A_344 = tpu.memref_slice %arg11[%run_scoped3A_233, %dma_start3A_343] : memref<2x1664xf32, #tpu.memory_space<vmem>> -> memref<1x1664xf32, #tpu.memory_space<vmem>>
      %dma_start3A_345 = tpu.memref_squeeze %dma_start3A_344 : memref<1x1664xf32, #tpu.memory_space<vmem>> -> memref<1664xf32, #tpu.memory_space<vmem>>
      %dma_start3A_346 = tpu.memref_slice %arg7[%add3A_232] : memref<425984xf32, #tpu.memory_space<hbm>> -> memref<1664xf32, #tpu.memory_space<hbm>>
      %dma_start3A_347 = tpu.memref_slice %arg7[%add3A_232] : memref<425984xf32, #tpu.memory_space<hbm>> -> memref<1664xf32, #tpu.memory_space<hbm>>
      %dma_start3A_348 = arith.constant 0 : i32
      %dma_start3A_349 = tpu.memref_slice %arg11[%run_scoped3A_233, %dma_start3A_348] : memref<2x1664xf32, #tpu.memory_space<vmem>> -> memref<1x1664xf32, #tpu.memory_space<vmem>>
      %dma_start3A_350 = tpu.memref_squeeze %dma_start3A_349 : memref<1x1664xf32, #tpu.memory_space<vmem>> -> memref<1664xf32, #tpu.memory_space<vmem>>
      tpu.enqueue_dma source(%dma_start3A_350 : memref<1664xf32, #tpu.memory_space<vmem>>) target(%dma_start3A_347 : memref<1664xf32, #tpu.memory_space<hbm>>) target_semaphore(%run_scoped3A_342 : memref<!tpu.dma_semaphore, #tpu.memory_space<semaphore_mem>>)
      %dma_wait3A_351 = arith.constant 0 : i32
      %dma_wait3A_352 = tpu.memref_slice %arg11[%run_scoped3A_233, %dma_wait3A_351] : memref<2x1664xf32, #tpu.memory_space<vmem>> -> memref<1x1664xf32, #tpu.memory_space<vmem>>
      %dma_wait3A_353 = tpu.memref_squeeze %dma_wait3A_352 : memref<1x1664xf32, #tpu.memory_space<vmem>> -> memref<1664xf32, #tpu.memory_space<vmem>>
      %dma_wait3A_354 = tpu.memref_slice %arg7[%add3A_232] : memref<425984xf32, #tpu.memory_space<hbm>> -> memref<1664xf32, #tpu.memory_space<hbm>>
      %dma_wait3A_355 = tpu.memref_slice %arg7[%add3A_232] : memref<425984xf32, #tpu.memory_space<hbm>> -> memref<1664xf32, #tpu.memory_space<hbm>>
      %dma_wait3A_356 = arith.constant 0 : i32
      %dma_wait3A_357 = tpu.memref_slice %arg11[%run_scoped3A_233, %dma_wait3A_356] : memref<2x1664xf32, #tpu.memory_space<vmem>> -> memref<1x1664xf32, #tpu.memory_space<vmem>>
      %dma_wait3A_358 = tpu.memref_squeeze %dma_wait3A_357 : memref<1x1664xf32, #tpu.memory_space<vmem>> -> memref<1664xf32, #tpu.memory_space<vmem>>
      tpu.wait_dma2 semaphore(%run_scoped3A_342 : memref<!tpu.dma_semaphore, #tpu.memory_space<semaphore_mem>>) src(%dma_wait3A_358 : memref<1664xf32, #tpu.memory_space<vmem>>) dst(%dma_wait3A_355 : memref<1664xf32, #tpu.memory_space<hbm>>)
      tpu.yield
    }) : () -> ()
    %dma_start3A_234 = arith.constant 0 : i32
    %dma_start3A_235 = arith.constant 0 : i32
    %dma_start3A_236 = arith.constant 0 : i32
    %dma_start3A_237 = tpu.memref_slice %arg10[%dma_start3A_234, %dma_start3A_235, %dma_start3A_236] : memref<2x1664x16xf32, #tpu.memory_space<vmem>> -> memref<1x1664x16xf32, #tpu.memory_space<vmem>>
    %dma_start3A_238 = tpu.memref_squeeze %dma_start3A_237 : memref<1x1664x16xf32, #tpu.memory_space<vmem>> -> memref<1664x16xf32, #tpu.memory_space<vmem>>
    %dma_start3A_239 = arith.constant 9984 : i32
    %dma_start3A_240 = tpu.memref_slice %arg8[%dma_start3A_239] : memref<13312xi32, #tpu.memory_space<vmem>> -> memref<1664xi32, #tpu.memory_space<vmem>>
    %dma_start3A_241 = arith.constant 0 : i32
    %dma_start3A_242 = arith.constant 0 : i32
    %dma_start3A_243 = tpu.memref_slice %arg4[%dma_start3A_241, %dma_start3A_242] : memref<2600000x16xf32, #tpu.memory_space<hbm>> -> memref<2600000x16xf32, #tpu.memory_space<hbm>>
    tpu.enqueue_indirect_dma source(%dma_start3A_243 : memref<2600000x16xf32, #tpu.memory_space<hbm>>) target(%dma_start3A_238 : memref<1664x16xf32, #tpu.memory_space<vmem>>) offsets(%dma_start3A_240 : memref<1664xi32, #tpu.memory_space<vmem>>) semaphore(%arg12 : memref<!tpu.dma_semaphore, #tpu.memory_space<semaphore_mem>>)
    %dma_start3A_244 = arith.constant 0 : i32
    %dma_start3A_245 = arith.constant 0 : i32
    %dma_start3A_246 = tpu.memref_slice %arg11[%dma_start3A_244, %dma_start3A_245] : memref<2x1664xf32, #tpu.memory_space<vmem>> -> memref<1x1664xf32, #tpu.memory_space<vmem>>
    %dma_start3A_247 = tpu.memref_squeeze %dma_start3A_246 : memref<1x1664xf32, #tpu.memory_space<vmem>> -> memref<1664xf32, #tpu.memory_space<vmem>>
    %dma_start3A_248 = arith.constant 9984 : i32
    %dma_start3A_249 = tpu.memref_slice %arg8[%dma_start3A_248] : memref<13312xi32, #tpu.memory_space<vmem>> -> memref<1664xi32, #tpu.memory_space<vmem>>
    %dma_start3A_250 = arith.constant 0 : i32
    %dma_start3A_251 = tpu.memref_slice %arg5[%dma_start3A_250] : memref<2600000xf32, #tpu.memory_space<hbm>> -> memref<2600000xf32, #tpu.memory_space<hbm>>
    tpu.enqueue_indirect_dma source(%dma_start3A_251 : memref<2600000xf32, #tpu.memory_space<hbm>>) target(%dma_start3A_247 : memref<1664xf32, #tpu.memory_space<vmem>>) offsets(%dma_start3A_249 : memref<1664xi32, #tpu.memory_space<vmem>>) semaphore(%arg13 : memref<!tpu.dma_semaphore, #tpu.memory_space<semaphore_mem>>)
    %dma_wait3A_252 = arith.constant 1 : i32
    %dma_wait3A_253 = arith.constant 0 : i32
    %dma_wait3A_254 = arith.constant 0 : i32
    %dma_wait3A_255 = tpu.memref_slice %arg10[%dma_wait3A_252, %dma_wait3A_253, %dma_wait3A_254] : memref<2x1664x16xf32, #tpu.memory_space<vmem>> -> memref<1x1664x16xf32, #tpu.memory_space<vmem>>
    %dma_wait3A_256 = tpu.memref_squeeze %dma_wait3A_255 : memref<1x1664x16xf32, #tpu.memory_space<vmem>> -> memref<1664x16xf32, #tpu.memory_space<vmem>>
    %dma_wait3A_257 = arith.constant 8320 : i32
    %dma_wait3A_258 = tpu.memref_slice %arg8[%dma_wait3A_257] : memref<13312xi32, #tpu.memory_space<vmem>> -> memref<1664xi32, #tpu.memory_space<vmem>>
    %dma_wait3A_259 = arith.constant 0 : i32
    %dma_wait3A_260 = arith.constant 0 : i32
    %dma_wait3A_261 = tpu.memref_slice %arg4[%dma_wait3A_259, %dma_wait3A_260] : memref<2600000x16xf32, #tpu.memory_space<hbm>> -> memref<2600000x16xf32, #tpu.memory_space<hbm>>
    tpu.wait_indirect_dma semaphore(%arg12 : memref<!tpu.dma_semaphore, #tpu.memory_space<semaphore_mem>>) src(%dma_wait3A_261 : memref<2600000x16xf32, #tpu.memory_space<hbm>>) dst(%dma_wait3A_256 : memref<1664x16xf32, #tpu.memory_space<vmem>>)
    %add3A_262 = arith.constant 8320 : i32
    %add3A_263 = arith.addi %mul3A_2, %add3A_262 : i32
    %run_scoped3A_264 = arith.constant 1 : i32
    "tpu.region"() ({
      %run_scoped3A_342 = tpu.sem_alloc : memref<!tpu.dma_semaphore, #tpu.memory_space<semaphore_mem>>
      %dma_start3A_343 = arith.constant 0 : i32
      %dma_start3A_344 = arith.constant 0 : i32
      %dma_start3A_345 = tpu.memref_slice %arg10[%run_scoped3A_264, %dma_start3A_343, %dma_start3A_344] : memref<2x1664x16xf32, #tpu.memory_space<vmem>> -> memref<1x1664x16xf32, #tpu.memory_space<vmem>>
      %dma_start3A_346 = tpu.memref_squeeze %dma_start3A_345 : memref<1x1664x16xf32, #tpu.memory_space<vmem>> -> memref<1664x16xf32, #tpu.memory_space<vmem>>
      %dma_start3A_347 = arith.constant 0 : i32
      %dma_start3A_348 = tpu.memref_slice %arg6[%add3A_263, %dma_start3A_347] : memref<425984x16xf32, #tpu.memory_space<hbm>> -> memref<1664x16xf32, #tpu.memory_space<hbm>>
      %dma_start3A_349 = arith.constant 0 : i32
      %dma_start3A_350 = tpu.memref_slice %arg6[%add3A_263, %dma_start3A_349] : memref<425984x16xf32, #tpu.memory_space<hbm>> -> memref<1664x16xf32, #tpu.memory_space<hbm>>
      %dma_start3A_351 = arith.constant 0 : i32
      %dma_start3A_352 = arith.constant 0 : i32
      %dma_start3A_353 = tpu.memref_slice %arg10[%run_scoped3A_264, %dma_start3A_351, %dma_start3A_352] : memref<2x1664x16xf32, #tpu.memory_space<vmem>> -> memref<1x1664x16xf32, #tpu.memory_space<vmem>>
      %dma_start3A_354 = tpu.memref_squeeze %dma_start3A_353 : memref<1x1664x16xf32, #tpu.memory_space<vmem>> -> memref<1664x16xf32, #tpu.memory_space<vmem>>
      tpu.enqueue_dma source(%dma_start3A_354 : memref<1664x16xf32, #tpu.memory_space<vmem>>) target(%dma_start3A_350 : memref<1664x16xf32, #tpu.memory_space<hbm>>) target_semaphore(%run_scoped3A_342 : memref<!tpu.dma_semaphore, #tpu.memory_space<semaphore_mem>>)
      %dma_wait3A_355 = arith.constant 0 : i32
      %dma_wait3A_356 = arith.constant 0 : i32
      %dma_wait3A_357 = tpu.memref_slice %arg10[%run_scoped3A_264, %dma_wait3A_355, %dma_wait3A_356] : memref<2x1664x16xf32, #tpu.memory_space<vmem>> -> memref<1x1664x16xf32, #tpu.memory_space<vmem>>
      %dma_wait3A_358 = tpu.memref_squeeze %dma_wait3A_357 : memref<1x1664x16xf32, #tpu.memory_space<vmem>> -> memref<1664x16xf32, #tpu.memory_space<vmem>>
      %dma_wait3A_359 = arith.constant 0 : i32
      %dma_wait3A_360 = tpu.memref_slice %arg6[%add3A_263, %dma_wait3A_359] : memref<425984x16xf32, #tpu.memory_space<hbm>> -> memref<1664x16xf32, #tpu.memory_space<hbm>>
      %dma_wait3A_361 = arith.constant 0 : i32
      %dma_wait3A_362 = tpu.memref_slice %arg6[%add3A_263, %dma_wait3A_361] : memref<425984x16xf32, #tpu.memory_space<hbm>> -> memref<1664x16xf32, #tpu.memory_space<hbm>>
      %dma_wait3A_363 = arith.constant 0 : i32
      %dma_wait3A_364 = arith.constant 0 : i32
      %dma_wait3A_365 = tpu.memref_slice %arg10[%run_scoped3A_264, %dma_wait3A_363, %dma_wait3A_364] : memref<2x1664x16xf32, #tpu.memory_space<vmem>> -> memref<1x1664x16xf32, #tpu.memory_space<vmem>>
      %dma_wait3A_366 = tpu.memref_squeeze %dma_wait3A_365 : memref<1x1664x16xf32, #tpu.memory_space<vmem>> -> memref<1664x16xf32, #tpu.memory_space<vmem>>
      tpu.wait_dma2 semaphore(%run_scoped3A_342 : memref<!tpu.dma_semaphore, #tpu.memory_space<semaphore_mem>>) src(%dma_wait3A_366 : memref<1664x16xf32, #tpu.memory_space<vmem>>) dst(%dma_wait3A_362 : memref<1664x16xf32, #tpu.memory_space<hbm>>)
      tpu.yield
    }) : () -> ()
    %dma_wait3A_265 = arith.constant 1 : i32
    %dma_wait3A_266 = arith.constant 0 : i32
    %dma_wait3A_267 = tpu.memref_slice %arg11[%dma_wait3A_265, %dma_wait3A_266] : memref<2x1664xf32, #tpu.memory_space<vmem>> -> memref<1x1664xf32, #tpu.memory_space<vmem>>
    %dma_wait3A_268 = tpu.memref_squeeze %dma_wait3A_267 : memref<1x1664xf32, #tpu.memory_space<vmem>> -> memref<1664xf32, #tpu.memory_space<vmem>>
    %dma_wait3A_269 = arith.constant 8320 : i32
    %dma_wait3A_270 = tpu.memref_slice %arg8[%dma_wait3A_269] : memref<13312xi32, #tpu.memory_space<vmem>> -> memref<1664xi32, #tpu.memory_space<vmem>>
    %dma_wait3A_271 = arith.constant 0 : i32
    %dma_wait3A_272 = tpu.memref_slice %arg5[%dma_wait3A_271] : memref<2600000xf32, #tpu.memory_space<hbm>> -> memref<2600000xf32, #tpu.memory_space<hbm>>
    tpu.wait_indirect_dma semaphore(%arg13 : memref<!tpu.dma_semaphore, #tpu.memory_space<semaphore_mem>>) src(%dma_wait3A_272 : memref<2600000xf32, #tpu.memory_space<hbm>>) dst(%dma_wait3A_268 : memref<1664xf32, #tpu.memory_space<vmem>>)
    %add3A_273 = arith.constant 8320 : i32
    %add3A_274 = arith.addi %mul3A_2, %add3A_273 : i32
    %run_scoped3A_275 = arith.constant 1 : i32
    "tpu.region"() ({
      %run_scoped3A_342 = tpu.sem_alloc : memref<!tpu.dma_semaphore, #tpu.memory_space<semaphore_mem>>
      %dma_start3A_343 = arith.constant 0 : i32
      %dma_start3A_344 = tpu.memref_slice %arg11[%run_scoped3A_275, %dma_start3A_343] : memref<2x1664xf32, #tpu.memory_space<vmem>> -> memref<1x1664xf32, #tpu.memory_space<vmem>>
      %dma_start3A_345 = tpu.memref_squeeze %dma_start3A_344 : memref<1x1664xf32, #tpu.memory_space<vmem>> -> memref<1664xf32, #tpu.memory_space<vmem>>
      %dma_start3A_346 = tpu.memref_slice %arg7[%add3A_274] : memref<425984xf32, #tpu.memory_space<hbm>> -> memref<1664xf32, #tpu.memory_space<hbm>>
      %dma_start3A_347 = tpu.memref_slice %arg7[%add3A_274] : memref<425984xf32, #tpu.memory_space<hbm>> -> memref<1664xf32, #tpu.memory_space<hbm>>
      %dma_start3A_348 = arith.constant 0 : i32
      %dma_start3A_349 = tpu.memref_slice %arg11[%run_scoped3A_275, %dma_start3A_348] : memref<2x1664xf32, #tpu.memory_space<vmem>> -> memref<1x1664xf32, #tpu.memory_space<vmem>>
      %dma_start3A_350 = tpu.memref_squeeze %dma_start3A_349 : memref<1x1664xf32, #tpu.memory_space<vmem>> -> memref<1664xf32, #tpu.memory_space<vmem>>
      tpu.enqueue_dma source(%dma_start3A_350 : memref<1664xf32, #tpu.memory_space<vmem>>) target(%dma_start3A_347 : memref<1664xf32, #tpu.memory_space<hbm>>) target_semaphore(%run_scoped3A_342 : memref<!tpu.dma_semaphore, #tpu.memory_space<semaphore_mem>>)
      %dma_wait3A_351 = arith.constant 0 : i32
      %dma_wait3A_352 = tpu.memref_slice %arg11[%run_scoped3A_275, %dma_wait3A_351] : memref<2x1664xf32, #tpu.memory_space<vmem>> -> memref<1x1664xf32, #tpu.memory_space<vmem>>
      %dma_wait3A_353 = tpu.memref_squeeze %dma_wait3A_352 : memref<1x1664xf32, #tpu.memory_space<vmem>> -> memref<1664xf32, #tpu.memory_space<vmem>>
      %dma_wait3A_354 = tpu.memref_slice %arg7[%add3A_274] : memref<425984xf32, #tpu.memory_space<hbm>> -> memref<1664xf32, #tpu.memory_space<hbm>>
      %dma_wait3A_355 = tpu.memref_slice %arg7[%add3A_274] : memref<425984xf32, #tpu.memory_space<hbm>> -> memref<1664xf32, #tpu.memory_space<hbm>>
      %dma_wait3A_356 = arith.constant 0 : i32
      %dma_wait3A_357 = tpu.memref_slice %arg11[%run_scoped3A_275, %dma_wait3A_356] : memref<2x1664xf32, #tpu.memory_space<vmem>> -> memref<1x1664xf32, #tpu.memory_space<vmem>>
      %dma_wait3A_358 = tpu.memref_squeeze %dma_wait3A_357 : memref<1x1664xf32, #tpu.memory_space<vmem>> -> memref<1664xf32, #tpu.memory_space<vmem>>
      tpu.wait_dma2 semaphore(%run_scoped3A_342 : memref<!tpu.dma_semaphore, #tpu.memory_space<semaphore_mem>>) src(%dma_wait3A_358 : memref<1664xf32, #tpu.memory_space<vmem>>) dst(%dma_wait3A_355 : memref<1664xf32, #tpu.memory_space<hbm>>)
      tpu.yield
    }) : () -> ()
    %dma_start3A_276 = arith.constant 1 : i32
    %dma_start3A_277 = arith.constant 0 : i32
    %dma_start3A_278 = arith.constant 0 : i32
    %dma_start3A_279 = tpu.memref_slice %arg10[%dma_start3A_276, %dma_start3A_277, %dma_start3A_278] : memref<2x1664x16xf32, #tpu.memory_space<vmem>> -> memref<1x1664x16xf32, #tpu.memory_space<vmem>>
    %dma_start3A_280 = tpu.memref_squeeze %dma_start3A_279 : memref<1x1664x16xf32, #tpu.memory_space<vmem>> -> memref<1664x16xf32, #tpu.memory_space<vmem>>
    %dma_start3A_281 = arith.constant 11648 : i32
    %dma_start3A_282 = tpu.memref_slice %arg8[%dma_start3A_281] : memref<13312xi32, #tpu.memory_space<vmem>> -> memref<1664xi32, #tpu.memory_space<vmem>>
    %dma_start3A_283 = arith.constant 0 : i32
    %dma_start3A_284 = arith.constant 0 : i32
    %dma_start3A_285 = tpu.memref_slice %arg4[%dma_start3A_283, %dma_start3A_284] : memref<2600000x16xf32, #tpu.memory_space<hbm>> -> memref<2600000x16xf32, #tpu.memory_space<hbm>>
    tpu.enqueue_indirect_dma source(%dma_start3A_285 : memref<2600000x16xf32, #tpu.memory_space<hbm>>) target(%dma_start3A_280 : memref<1664x16xf32, #tpu.memory_space<vmem>>) offsets(%dma_start3A_282 : memref<1664xi32, #tpu.memory_space<vmem>>) semaphore(%arg12 : memref<!tpu.dma_semaphore, #tpu.memory_space<semaphore_mem>>)
    %dma_start3A_286 = arith.constant 1 : i32
    %dma_start3A_287 = arith.constant 0 : i32
    %dma_start3A_288 = tpu.memref_slice %arg11[%dma_start3A_286, %dma_start3A_287] : memref<2x1664xf32, #tpu.memory_space<vmem>> -> memref<1x1664xf32, #tpu.memory_space<vmem>>
    %dma_start3A_289 = tpu.memref_squeeze %dma_start3A_288 : memref<1x1664xf32, #tpu.memory_space<vmem>> -> memref<1664xf32, #tpu.memory_space<vmem>>
    %dma_start3A_290 = arith.constant 11648 : i32
    %dma_start3A_291 = tpu.memref_slice %arg8[%dma_start3A_290] : memref<13312xi32, #tpu.memory_space<vmem>> -> memref<1664xi32, #tpu.memory_space<vmem>>
    %dma_start3A_292 = arith.constant 0 : i32
    %dma_start3A_293 = tpu.memref_slice %arg5[%dma_start3A_292] : memref<2600000xf32, #tpu.memory_space<hbm>> -> memref<2600000xf32, #tpu.memory_space<hbm>>
    tpu.enqueue_indirect_dma source(%dma_start3A_293 : memref<2600000xf32, #tpu.memory_space<hbm>>) target(%dma_start3A_289 : memref<1664xf32, #tpu.memory_space<vmem>>) offsets(%dma_start3A_291 : memref<1664xi32, #tpu.memory_space<vmem>>) semaphore(%arg13 : memref<!tpu.dma_semaphore, #tpu.memory_space<semaphore_mem>>)
    %dma_wait3A_294 = arith.constant 0 : i32
    %dma_wait3A_295 = arith.constant 0 : i32
    %dma_wait3A_296 = arith.constant 0 : i32
    %dma_wait3A_297 = tpu.memref_slice %arg10[%dma_wait3A_294, %dma_wait3A_295, %dma_wait3A_296] : memref<2x1664x16xf32, #tpu.memory_space<vmem>> -> memref<1x1664x16xf32, #tpu.memory_space<vmem>>
    %dma_wait3A_298 = tpu.memref_squeeze %dma_wait3A_297 : memref<1x1664x16xf32, #tpu.memory_space<vmem>> -> memref<1664x16xf32, #tpu.memory_space<vmem>>
    %dma_wait3A_299 = arith.constant 9984 : i32
    %dma_wait3A_300 = tpu.memref_slice %arg8[%dma_wait3A_299] : memref<13312xi32, #tpu.memory_space<vmem>> -> memref<1664xi32, #tpu.memory_space<vmem>>
    %dma_wait3A_301 = arith.constant 0 : i32
    %dma_wait3A_302 = arith.constant 0 : i32
    %dma_wait3A_303 = tpu.memref_slice %arg4[%dma_wait3A_301, %dma_wait3A_302] : memref<2600000x16xf32, #tpu.memory_space<hbm>> -> memref<2600000x16xf32, #tpu.memory_space<hbm>>
    tpu.wait_indirect_dma semaphore(%arg12 : memref<!tpu.dma_semaphore, #tpu.memory_space<semaphore_mem>>) src(%dma_wait3A_303 : memref<2600000x16xf32, #tpu.memory_space<hbm>>) dst(%dma_wait3A_298 : memref<1664x16xf32, #tpu.memory_space<vmem>>)
    %add3A_304 = arith.constant 9984 : i32
    %add3A_305 = arith.addi %mul3A_2, %add3A_304 : i32
    %run_scoped3A_306 = arith.constant 0 : i32
    "tpu.region"() ({
      %run_scoped3A_342 = tpu.sem_alloc : memref<!tpu.dma_semaphore, #tpu.memory_space<semaphore_mem>>
      %dma_start3A_343 = arith.constant 0 : i32
      %dma_start3A_344 = arith.constant 0 : i32
      %dma_start3A_345 = tpu.memref_slice %arg10[%run_scoped3A_306, %dma_start3A_343, %dma_start3A_344] : memref<2x1664x16xf32, #tpu.memory_space<vmem>> -> memref<1x1664x16xf32, #tpu.memory_space<vmem>>
      %dma_start3A_346 = tpu.memref_squeeze %dma_start3A_345 : memref<1x1664x16xf32, #tpu.memory_space<vmem>> -> memref<1664x16xf32, #tpu.memory_space<vmem>>
      %dma_start3A_347 = arith.constant 0 : i32
      %dma_start3A_348 = tpu.memref_slice %arg6[%add3A_305, %dma_start3A_347] : memref<425984x16xf32, #tpu.memory_space<hbm>> -> memref<1664x16xf32, #tpu.memory_space<hbm>>
      %dma_start3A_349 = arith.constant 0 : i32
      %dma_start3A_350 = tpu.memref_slice %arg6[%add3A_305, %dma_start3A_349] : memref<425984x16xf32, #tpu.memory_space<hbm>> -> memref<1664x16xf32, #tpu.memory_space<hbm>>
      %dma_start3A_351 = arith.constant 0 : i32
      %dma_start3A_352 = arith.constant 0 : i32
      %dma_start3A_353 = tpu.memref_slice %arg10[%run_scoped3A_306, %dma_start3A_351, %dma_start3A_352] : memref<2x1664x16xf32, #tpu.memory_space<vmem>> -> memref<1x1664x16xf32, #tpu.memory_space<vmem>>
      %dma_start3A_354 = tpu.memref_squeeze %dma_start3A_353 : memref<1x1664x16xf32, #tpu.memory_space<vmem>> -> memref<1664x16xf32, #tpu.memory_space<vmem>>
      tpu.enqueue_dma source(%dma_start3A_354 : memref<1664x16xf32, #tpu.memory_space<vmem>>) target(%dma_start3A_350 : memref<1664x16xf32, #tpu.memory_space<hbm>>) target_semaphore(%run_scoped3A_342 : memref<!tpu.dma_semaphore, #tpu.memory_space<semaphore_mem>>)
      %dma_wait3A_355 = arith.constant 0 : i32
      %dma_wait3A_356 = arith.constant 0 : i32
      %dma_wait3A_357 = tpu.memref_slice %arg10[%run_scoped3A_306, %dma_wait3A_355, %dma_wait3A_356] : memref<2x1664x16xf32, #tpu.memory_space<vmem>> -> memref<1x1664x16xf32, #tpu.memory_space<vmem>>
      %dma_wait3A_358 = tpu.memref_squeeze %dma_wait3A_357 : memref<1x1664x16xf32, #tpu.memory_space<vmem>> -> memref<1664x16xf32, #tpu.memory_space<vmem>>
      %dma_wait3A_359 = arith.constant 0 : i32
      %dma_wait3A_360 = tpu.memref_slice %arg6[%add3A_305, %dma_wait3A_359] : memref<425984x16xf32, #tpu.memory_space<hbm>> -> memref<1664x16xf32, #tpu.memory_space<hbm>>
      %dma_wait3A_361 = arith.constant 0 : i32
      %dma_wait3A_362 = tpu.memref_slice %arg6[%add3A_305, %dma_wait3A_361] : memref<425984x16xf32, #tpu.memory_space<hbm>> -> memref<1664x16xf32, #tpu.memory_space<hbm>>
      %dma_wait3A_363 = arith.constant 0 : i32
      %dma_wait3A_364 = arith.constant 0 : i32
      %dma_wait3A_365 = tpu.memref_slice %arg10[%run_scoped3A_306, %dma_wait3A_363, %dma_wait3A_364] : memref<2x1664x16xf32, #tpu.memory_space<vmem>> -> memref<1x1664x16xf32, #tpu.memory_space<vmem>>
      %dma_wait3A_366 = tpu.memref_squeeze %dma_wait3A_365 : memref<1x1664x16xf32, #tpu.memory_space<vmem>> -> memref<1664x16xf32, #tpu.memory_space<vmem>>
      tpu.wait_dma2 semaphore(%run_scoped3A_342 : memref<!tpu.dma_semaphore, #tpu.memory_space<semaphore_mem>>) src(%dma_wait3A_366 : memref<1664x16xf32, #tpu.memory_space<vmem>>) dst(%dma_wait3A_362 : memref<1664x16xf32, #tpu.memory_space<hbm>>)
      tpu.yield
    }) : () -> ()
    %dma_wait3A_307 = arith.constant 0 : i32
    %dma_wait3A_308 = arith.constant 0 : i32
    %dma_wait3A_309 = tpu.memref_slice %arg11[%dma_wait3A_307, %dma_wait3A_308] : memref<2x1664xf32, #tpu.memory_space<vmem>> -> memref<1x1664xf32, #tpu.memory_space<vmem>>
    %dma_wait3A_310 = tpu.memref_squeeze %dma_wait3A_309 : memref<1x1664xf32, #tpu.memory_space<vmem>> -> memref<1664xf32, #tpu.memory_space<vmem>>
    %dma_wait3A_311 = arith.constant 9984 : i32
    %dma_wait3A_312 = tpu.memref_slice %arg8[%dma_wait3A_311] : memref<13312xi32, #tpu.memory_space<vmem>> -> memref<1664xi32, #tpu.memory_space<vmem>>
    %dma_wait3A_313 = arith.constant 0 : i32
    %dma_wait3A_314 = tpu.memref_slice %arg5[%dma_wait3A_313] : memref<2600000xf32, #tpu.memory_space<hbm>> -> memref<2600000xf32, #tpu.memory_space<hbm>>
    tpu.wait_indirect_dma semaphore(%arg13 : memref<!tpu.dma_semaphore, #tpu.memory_space<semaphore_mem>>) src(%dma_wait3A_314 : memref<2600000xf32, #tpu.memory_space<hbm>>) dst(%dma_wait3A_310 : memref<1664xf32, #tpu.memory_space<vmem>>)
    %add3A_315 = arith.constant 9984 : i32
    %add3A_316 = arith.addi %mul3A_2, %add3A_315 : i32
    %run_scoped3A_317 = arith.constant 0 : i32
    "tpu.region"() ({
      %run_scoped3A_342 = tpu.sem_alloc : memref<!tpu.dma_semaphore, #tpu.memory_space<semaphore_mem>>
      %dma_start3A_343 = arith.constant 0 : i32
      %dma_start3A_344 = tpu.memref_slice %arg11[%run_scoped3A_317, %dma_start3A_343] : memref<2x1664xf32, #tpu.memory_space<vmem>> -> memref<1x1664xf32, #tpu.memory_space<vmem>>
      %dma_start3A_345 = tpu.memref_squeeze %dma_start3A_344 : memref<1x1664xf32, #tpu.memory_space<vmem>> -> memref<1664xf32, #tpu.memory_space<vmem>>
      %dma_start3A_346 = tpu.memref_slice %arg7[%add3A_316] : memref<425984xf32, #tpu.memory_space<hbm>> -> memref<1664xf32, #tpu.memory_space<hbm>>
      %dma_start3A_347 = tpu.memref_slice %arg7[%add3A_316] : memref<425984xf32, #tpu.memory_space<hbm>> -> memref<1664xf32, #tpu.memory_space<hbm>>
      %dma_start3A_348 = arith.constant 0 : i32
      %dma_start3A_349 = tpu.memref_slice %arg11[%run_scoped3A_317, %dma_start3A_348] : memref<2x1664xf32, #tpu.memory_space<vmem>> -> memref<1x1664xf32, #tpu.memory_space<vmem>>
      %dma_start3A_350 = tpu.memref_squeeze %dma_start3A_349 : memref<1x1664xf32, #tpu.memory_space<vmem>> -> memref<1664xf32, #tpu.memory_space<vmem>>
      tpu.enqueue_dma source(%dma_start3A_350 : memref<1664xf32, #tpu.memory_space<vmem>>) target(%dma_start3A_347 : memref<1664xf32, #tpu.memory_space<hbm>>) target_semaphore(%run_scoped3A_342 : memref<!tpu.dma_semaphore, #tpu.memory_space<semaphore_mem>>)
      %dma_wait3A_351 = arith.constant 0 : i32
      %dma_wait3A_352 = tpu.memref_slice %arg11[%run_scoped3A_317, %dma_wait3A_351] : memref<2x1664xf32, #tpu.memory_space<vmem>> -> memref<1x1664xf32, #tpu.memory_space<vmem>>
      %dma_wait3A_353 = tpu.memref_squeeze %dma_wait3A_352 : memref<1x1664xf32, #tpu.memory_space<vmem>> -> memref<1664xf32, #tpu.memory_space<vmem>>
      %dma_wait3A_354 = tpu.memref_slice %arg7[%add3A_316] : memref<425984xf32, #tpu.memory_space<hbm>> -> memref<1664xf32, #tpu.memory_space<hbm>>
      %dma_wait3A_355 = tpu.memref_slice %arg7[%add3A_316] : memref<425984xf32, #tpu.memory_space<hbm>> -> memref<1664xf32, #tpu.memory_space<hbm>>
      %dma_wait3A_356 = arith.constant 0 : i32
      %dma_wait3A_357 = tpu.memref_slice %arg11[%run_scoped3A_317, %dma_wait3A_356] : memref<2x1664xf32, #tpu.memory_space<vmem>> -> memref<1x1664xf32, #tpu.memory_space<vmem>>
      %dma_wait3A_358 = tpu.memref_squeeze %dma_wait3A_357 : memref<1x1664xf32, #tpu.memory_space<vmem>> -> memref<1664xf32, #tpu.memory_space<vmem>>
      tpu.wait_dma2 semaphore(%run_scoped3A_342 : memref<!tpu.dma_semaphore, #tpu.memory_space<semaphore_mem>>) src(%dma_wait3A_358 : memref<1664xf32, #tpu.memory_space<vmem>>) dst(%dma_wait3A_355 : memref<1664xf32, #tpu.memory_space<hbm>>)
      tpu.yield
    }) : () -> ()
    %dma_wait3A_318 = arith.constant 1 : i32
    %dma_wait3A_319 = arith.constant 0 : i32
    %dma_wait3A_320 = arith.constant 0 : i32
    %dma_wait3A_321 = tpu.memref_slice %arg10[%dma_wait3A_318, %dma_wait3A_319, %dma_wait3A_320] : memref<2x1664x16xf32, #tpu.memory_space<vmem>> -> memref<1x1664x16xf32, #tpu.memory_space<vmem>>
    %dma_wait3A_322 = tpu.memref_squeeze %dma_wait3A_321 : memref<1x1664x16xf32, #tpu.memory_space<vmem>> -> memref<1664x16xf32, #tpu.memory_space<vmem>>
    %dma_wait3A_323 = arith.constant 11648 : i32
    %dma_wait3A_324 = tpu.memref_slice %arg8[%dma_wait3A_323] : memref<13312xi32, #tpu.memory_space<vmem>> -> memref<1664xi32, #tpu.memory_space<vmem>>
    %dma_wait3A_325 = arith.constant 0 : i32
    %dma_wait3A_326 = arith.constant 0 : i32
    %dma_wait3A_327 = tpu.memref_slice %arg4[%dma_wait3A_325, %dma_wait3A_326] : memref<2600000x16xf32, #tpu.memory_space<hbm>> -> memref<2600000x16xf32, #tpu.memory_space<hbm>>
    tpu.wait_indirect_dma semaphore(%arg12 : memref<!tpu.dma_semaphore, #tpu.memory_space<semaphore_mem>>) src(%dma_wait3A_327 : memref<2600000x16xf32, #tpu.memory_space<hbm>>) dst(%dma_wait3A_322 : memref<1664x16xf32, #tpu.memory_space<vmem>>)
    %add3A_328 = arith.constant 11648 : i32
    %add3A_329 = arith.addi %mul3A_2, %add3A_328 : i32
    %run_scoped3A_330 = arith.constant 1 : i32
    "tpu.region"() ({
      %run_scoped3A_342 = tpu.sem_alloc : memref<!tpu.dma_semaphore, #tpu.memory_space<semaphore_mem>>
      %dma_start3A_343 = arith.constant 0 : i32
      %dma_start3A_344 = arith.constant 0 : i32
      %dma_start3A_345 = tpu.memref_slice %arg10[%run_scoped3A_330, %dma_start3A_343, %dma_start3A_344] : memref<2x1664x16xf32, #tpu.memory_space<vmem>> -> memref<1x1664x16xf32, #tpu.memory_space<vmem>>
      %dma_start3A_346 = tpu.memref_squeeze %dma_start3A_345 : memref<1x1664x16xf32, #tpu.memory_space<vmem>> -> memref<1664x16xf32, #tpu.memory_space<vmem>>
      %dma_start3A_347 = arith.constant 0 : i32
      %dma_start3A_348 = tpu.memref_slice %arg6[%add3A_329, %dma_start3A_347] : memref<425984x16xf32, #tpu.memory_space<hbm>> -> memref<1664x16xf32, #tpu.memory_space<hbm>>
      %dma_start3A_349 = arith.constant 0 : i32
      %dma_start3A_350 = tpu.memref_slice %arg6[%add3A_329, %dma_start3A_349] : memref<425984x16xf32, #tpu.memory_space<hbm>> -> memref<1664x16xf32, #tpu.memory_space<hbm>>
      %dma_start3A_351 = arith.constant 0 : i32
      %dma_start3A_352 = arith.constant 0 : i32
      %dma_start3A_353 = tpu.memref_slice %arg10[%run_scoped3A_330, %dma_start3A_351, %dma_start3A_352] : memref<2x1664x16xf32, #tpu.memory_space<vmem>> -> memref<1x1664x16xf32, #tpu.memory_space<vmem>>
      %dma_start3A_354 = tpu.memref_squeeze %dma_start3A_353 : memref<1x1664x16xf32, #tpu.memory_space<vmem>> -> memref<1664x16xf32, #tpu.memory_space<vmem>>
      tpu.enqueue_dma source(%dma_start3A_354 : memref<1664x16xf32, #tpu.memory_space<vmem>>) target(%dma_start3A_350 : memref<1664x16xf32, #tpu.memory_space<hbm>>) target_semaphore(%run_scoped3A_342 : memref<!tpu.dma_semaphore, #tpu.memory_space<semaphore_mem>>)
      %dma_wait3A_355 = arith.constant 0 : i32
      %dma_wait3A_356 = arith.constant 0 : i32
      %dma_wait3A_357 = tpu.memref_slice %arg10[%run_scoped3A_330, %dma_wait3A_355, %dma_wait3A_356] : memref<2x1664x16xf32, #tpu.memory_space<vmem>> -> memref<1x1664x16xf32, #tpu.memory_space<vmem>>
      %dma_wait3A_358 = tpu.memref_squeeze %dma_wait3A_357 : memref<1x1664x16xf32, #tpu.memory_space<vmem>> -> memref<1664x16xf32, #tpu.memory_space<vmem>>
      %dma_wait3A_359 = arith.constant 0 : i32
      %dma_wait3A_360 = tpu.memref_slice %arg6[%add3A_329, %dma_wait3A_359] : memref<425984x16xf32, #tpu.memory_space<hbm>> -> memref<1664x16xf32, #tpu.memory_space<hbm>>
      %dma_wait3A_361 = arith.constant 0 : i32
      %dma_wait3A_362 = tpu.memref_slice %arg6[%add3A_329, %dma_wait3A_361] : memref<425984x16xf32, #tpu.memory_space<hbm>> -> memref<1664x16xf32, #tpu.memory_space<hbm>>
      %dma_wait3A_363 = arith.constant 0 : i32
      %dma_wait3A_364 = arith.constant 0 : i32
      %dma_wait3A_365 = tpu.memref_slice %arg10[%run_scoped3A_330, %dma_wait3A_363, %dma_wait3A_364] : memref<2x1664x16xf32, #tpu.memory_space<vmem>> -> memref<1x1664x16xf32, #tpu.memory_space<vmem>>
      %dma_wait3A_366 = tpu.memref_squeeze %dma_wait3A_365 : memref<1x1664x16xf32, #tpu.memory_space<vmem>> -> memref<1664x16xf32, #tpu.memory_space<vmem>>
      tpu.wait_dma2 semaphore(%run_scoped3A_342 : memref<!tpu.dma_semaphore, #tpu.memory_space<semaphore_mem>>) src(%dma_wait3A_366 : memref<1664x16xf32, #tpu.memory_space<vmem>>) dst(%dma_wait3A_362 : memref<1664x16xf32, #tpu.memory_space<hbm>>)
      tpu.yield
    }) : () -> ()
    %dma_wait3A_331 = arith.constant 1 : i32
    %dma_wait3A_332 = arith.constant 0 : i32
    %dma_wait3A_333 = tpu.memref_slice %arg11[%dma_wait3A_331, %dma_wait3A_332] : memref<2x1664xf32, #tpu.memory_space<vmem>> -> memref<1x1664xf32, #tpu.memory_space<vmem>>
    %dma_wait3A_334 = tpu.memref_squeeze %dma_wait3A_333 : memref<1x1664xf32, #tpu.memory_space<vmem>> -> memref<1664xf32, #tpu.memory_space<vmem>>
    %dma_wait3A_335 = arith.constant 11648 : i32
    %dma_wait3A_336 = tpu.memref_slice %arg8[%dma_wait3A_335] : memref<13312xi32, #tpu.memory_space<vmem>> -> memref<1664xi32, #tpu.memory_space<vmem>>
    %dma_wait3A_337 = arith.constant 0 : i32
    %dma_wait3A_338 = tpu.memref_slice %arg5[%dma_wait3A_337] : memref<2600000xf32, #tpu.memory_space<hbm>> -> memref<2600000xf32, #tpu.memory_space<hbm>>
    tpu.wait_indirect_dma semaphore(%arg13 : memref<!tpu.dma_semaphore, #tpu.memory_space<semaphore_mem>>) src(%dma_wait3A_338 : memref<2600000xf32, #tpu.memory_space<hbm>>) dst(%dma_wait3A_334 : memref<1664xf32, #tpu.memory_space<vmem>>)
    %add3A_339 = arith.constant 11648 : i32
    %add3A_340 = arith.addi %mul3A_2, %add3A_339 : i32
    %run_scoped3A_341 = arith.constant 1 : i32
    "tpu.region"() ({
      %run_scoped3A_342 = tpu.sem_alloc : memref<!tpu.dma_semaphore, #tpu.memory_space<semaphore_mem>>
      %dma_start3A_343 = arith.constant 0 : i32
      %dma_start3A_344 = tpu.memref_slice %arg11[%run_scoped3A_341, %dma_start3A_343] : memref<2x1664xf32, #tpu.memory_space<vmem>> -> memref<1x1664xf32, #tpu.memory_space<vmem>>
      %dma_start3A_345 = tpu.memref_squeeze %dma_start3A_344 : memref<1x1664xf32, #tpu.memory_space<vmem>> -> memref<1664xf32, #tpu.memory_space<vmem>>
      %dma_start3A_346 = tpu.memref_slice %arg7[%add3A_340] : memref<425984xf32, #tpu.memory_space<hbm>> -> memref<1664xf32, #tpu.memory_space<hbm>>
      %dma_start3A_347 = tpu.memref_slice %arg7[%add3A_340] : memref<425984xf32, #tpu.memory_space<hbm>> -> memref<1664xf32, #tpu.memory_space<hbm>>
      %dma_start3A_348 = arith.constant 0 : i32
      %dma_start3A_349 = tpu.memref_slice %arg11[%run_scoped3A_341, %dma_start3A_348] : memref<2x1664xf32, #tpu.memory_space<vmem>> -> memref<1x1664xf32, #tpu.memory_space<vmem>>
      %dma_start3A_350 = tpu.memref_squeeze %dma_start3A_349 : memref<1x1664xf32, #tpu.memory_space<vmem>> -> memref<1664xf32, #tpu.memory_space<vmem>>
      tpu.enqueue_dma source(%dma_start3A_350 : memref<1664xf32, #tpu.memory_space<vmem>>) target(%dma_start3A_347 : memref<1664xf32, #tpu.memory_space<hbm>>) target_semaphore(%run_scoped3A_342 : memref<!tpu.dma_semaphore, #tpu.memory_space<semaphore_mem>>)
      %dma_wait3A_351 = arith.constant 0 : i32
      %dma_wait3A_352 = tpu.memref_slice %arg11[%run_scoped3A_341, %dma_wait3A_351] : memref<2x1664xf32, #tpu.memory_space<vmem>> -> memref<1x1664xf32, #tpu.memory_space<vmem>>
      %dma_wait3A_353 = tpu.memref_squeeze %dma_wait3A_352 : memref<1x1664xf32, #tpu.memory_space<vmem>> -> memref<1664xf32, #tpu.memory_space<vmem>>
      %dma_wait3A_354 = tpu.memref_slice %arg7[%add3A_340] : memref<425984xf32, #tpu.memory_space<hbm>> -> memref<1664xf32, #tpu.memory_space<hbm>>
      %dma_wait3A_355 = tpu.memref_slice %arg7[%add3A_340] : memref<425984xf32, #tpu.memory_space<hbm>> -> memref<1664xf32, #tpu.memory_space<hbm>>
      %dma_wait3A_356 = arith.constant 0 : i32
      %dma_wait3A_357 = tpu.memref_slice %arg11[%run_scoped3A_341, %dma_wait3A_356] : memref<2x1664xf32, #tpu.memory_space<vmem>> -> memref<1x1664xf32, #tpu.memory_space<vmem>>
      %dma_wait3A_358 = tpu.memref_squeeze %dma_wait3A_357 : memref<1x1664xf32, #tpu.memory_space<vmem>> -> memref<1664xf32, #tpu.memory_space<vmem>>
      tpu.wait_dma2 semaphore(%run_scoped3A_342 : memref<!tpu.dma_semaphore, #tpu.memory_space<semaphore_mem>>) src(%dma_wait3A_358 : memref<1664xf32, #tpu.memory_space<vmem>>) dst(%dma_wait3A_355 : memref<1664xf32, #tpu.memory_space<hbm>>)
      tpu.yield
    }) : () -> ()
    return
  }
}

module attributes {stable_mosaic.version = 14 : i64} {
  func.func @body(%arg0: i32, %arg1: memref<1024x416xf32, #tpu.memory_space<vmem>>, %arg2: memref<1024x26xf32, #tpu.memory_space<vmem>>, %arg3: memref<416x256xf32, #tpu.memory_space<vmem>>, %arg4: memref<1x256xf32, #tpu.memory_space<vmem>>, %arg5: memref<256x128xf32, #tpu.memory_space<vmem>>, %arg6: memref<1x128xf32, #tpu.memory_space<vmem>>, %arg7: memref<1x128xf32, #tpu.memory_space<vmem>>, %arg8: memref<1x1xf32, #tpu.memory_space<vmem>>, %arg9: memref<8x128xf32, #tpu.memory_space<vmem>>) attributes {dimension_semantics = [#tpu.dimension_semantics<arbitrary>], iteration_bounds = array<i64: 16>, scalar_prefetch = 0 : i64, scratch_operands = 0 : i64, tpu.core_type = #tpu.core_type<tc>, window_params = [{transform_indices = @transform_0, window_bounds = array<i64: 1024, 416>}, {transform_indices = @transform_1, window_bounds = array<i64: 1024, 26>}, {pipeline_mode = #tpu.pipeline_mode<synchronous>, transform_indices = @transform_2, window_bounds = array<i64: 416, 256>}, {pipeline_mode = #tpu.pipeline_mode<synchronous>, transform_indices = @transform_3, window_bounds = array<i64: 1, 256>}, {pipeline_mode = #tpu.pipeline_mode<synchronous>, transform_indices = @transform_4, window_bounds = array<i64: 256, 128>}, {pipeline_mode = #tpu.pipeline_mode<synchronous>, transform_indices = @transform_5, window_bounds = array<i64: 1, 128>}, {pipeline_mode = #tpu.pipeline_mode<synchronous>, transform_indices = @transform_6, window_bounds = array<i64: 1, 128>}, {pipeline_mode = #tpu.pipeline_mode<synchronous>, transform_indices = @transform_7, window_bounds = array<i64: 1, 1>}, {transform_indices = @transform_8, window_bounds = array<i64: 8, 128>}]} {
    %get3A = arith.constant 0 : index
    %get3A_0 = arith.constant 0 : index
    %get3A_1 = vector.load %arg1[%get3A, %get3A_0] : memref<1024x416xf32, #tpu.memory_space<vmem>>, vector<1024x416xf32>
    %get3A_2 = arith.constant 0 : index
    %get3A_3 = arith.constant 0 : index
    %get3A_4 = vector.load %arg3[%get3A_2, %get3A_3] : memref<416x256xf32, #tpu.memory_space<vmem>>, vector<416x256xf32>
    %dot_general3A = arith.constant dense<0.000000e+00> : vector<1024x256xf32>
    %dot_general3A_5 = tpu.matmul %get3A_1, %get3A_4, %dot_general3A {dimension_numbers = #tpu.dot_dimension_numbers<[1], [0], [0], [1], [0, 0, 1, 1], [], []>, transpose_lhs_hint = false} : vector<1024x416xf32>, vector<416x256xf32>, vector<1024x256xf32> -> vector<1024x256xf32>
    %get3A_6 = arith.constant 0 : index
    %get3A_7 = arith.constant 0 : index
    %get3A_8 = vector.load %arg4[%get3A_6, %get3A_7] : memref<1x256xf32, #tpu.memory_space<vmem>>, vector<1x256xf32>
    %add3A = vector.broadcast %get3A_8 : vector<1x256xf32> to vector<1024x256xf32>
    %add3A_9 = arith.addf %dot_general3A_5, %add3A : vector<1024x256xf32>
    %max3A = arith.constant 0.000000e+00 : f32
    %max3A_10 = vector.broadcast %max3A : f32 to vector<1024x256xf32>
    %max3A_11 = arith.maximumf %add3A_9, %max3A_10 : vector<1024x256xf32>
    %get3A_12 = arith.constant 0 : index
    %get3A_13 = arith.constant 0 : index
    %get3A_14 = vector.load %arg5[%get3A_12, %get3A_13] : memref<256x128xf32, #tpu.memory_space<vmem>>, vector<256x128xf32>
    %dot_general3A_15 = arith.constant dense<0.000000e+00> : vector<1024x128xf32>
    %dot_general3A_16 = tpu.matmul %max3A_11, %get3A_14, %dot_general3A_15 {dimension_numbers = #tpu.dot_dimension_numbers<[1], [0], [0], [1], [0, 0, 1, 1], [], []>, transpose_lhs_hint = false} : vector<1024x256xf32>, vector<256x128xf32>, vector<1024x128xf32> -> vector<1024x128xf32>
    %get3A_17 = arith.constant 0 : index
    %get3A_18 = arith.constant 0 : index
    %get3A_19 = vector.load %arg6[%get3A_17, %get3A_18] : memref<1x128xf32, #tpu.memory_space<vmem>>, vector<1x128xf32>
    %add3A_20 = vector.broadcast %get3A_19 : vector<1x128xf32> to vector<1024x128xf32>
    %add3A_21 = arith.addf %dot_general3A_16, %add3A_20 : vector<1024x128xf32>
    %max3A_22 = arith.constant 0.000000e+00 : f32
    %max3A_23 = vector.broadcast %max3A_22 : f32 to vector<1024x128xf32>
    %max3A_24 = arith.maximumf %add3A_21, %max3A_23 : vector<1024x128xf32>
    %get3A_25 = arith.constant 0 : index
    %get3A_26 = arith.constant 0 : index
    %get3A_27 = vector.load %arg7[%get3A_25, %get3A_26] : memref<1x128xf32, #tpu.memory_space<vmem>>, vector<1x128xf32>
    %mul3A = vector.broadcast %get3A_27 : vector<1x128xf32> to vector<1024x128xf32>
    %mul3A_28 = arith.mulf %max3A_24, %mul3A : vector<1024x128xf32>
    %reduce_sum3A = arith.constant dense<0.000000e+00> : vector<1024xf32>
    %reduce_sum3A_29 = vector.multi_reduction <add>, %mul3A_28, %reduce_sum3A [1] : vector<1024x128xf32> to vector<1024xf32>
    %get3A_30 = arith.constant 0 : index
    %get3A_31 = arith.constant 0 : index
    %get3A_32 = vector.load %arg8[%get3A_30, %get3A_31] : memref<1x1xf32, #tpu.memory_space<vmem>>, vector<1x1xf32>
    %get3A_33 = vector.extract %get3A_32[0, 0] : f32 from vector<1x1xf32>
    %add3A_34 = vector.broadcast %get3A_33 : f32 to vector<1024xf32>
    %add3A_35 = arith.addf %reduce_sum3A_29, %add3A_34 : vector<1024xf32>
    %get3A_36 = arith.constant 0 : index
    %get3A_37 = arith.constant 0 : index
    %get3A_38 = vector.load %arg2[%get3A_36, %get3A_37] : memref<1024x26xf32, #tpu.memory_space<vmem>>, vector<1024x26xf32>
    %reduce_sum3A_39 = arith.constant dense<0.000000e+00> : vector<1024xf32>
    %reduce_sum3A_40 = vector.multi_reduction <add>, %get3A_38, %reduce_sum3A_39 [1] : vector<1024x26xf32> to vector<1024xf32>
    %add3A_41 = arith.addf %add3A_35, %reduce_sum3A_40 : vector<1024xf32>
    %reshape3A = vector.shape_cast %add3A_41 : vector<1024xf32> to vector<8x128xf32>
    %swap3A = arith.constant 0 : index
    %swap3A_42 = arith.constant 0 : index
    %swap3A_43 = vector.load %arg9[%swap3A, %swap3A_42] : memref<8x128xf32, #tpu.memory_space<vmem>>, vector<8x128xf32>
    tpu.vector_store %arg9[%swap3A, %swap3A_42], %reshape3A {strides = array<i32>} : memref<8x128xf32, #tpu.memory_space<vmem>>, vector<8x128xf32>,
    return
  }
  func.func @transform_0(%arg0: i32) -> (i32, i32) {
    %c0_i32 = arith.constant 0 : i32
    %c0_i32_0 = arith.constant 0 : i32
    return %arg0, %c0_i32 : i32, i32
  }
  func.func @transform_1(%arg0: i32) -> (i32, i32) {
    %c0_i32 = arith.constant 0 : i32
    %c0_i32_0 = arith.constant 0 : i32
    return %arg0, %c0_i32 : i32, i32
  }
  func.func @transform_2(%arg0: i32) -> (i32, i32) {
    %c0_i32 = arith.constant 0 : i32
    %c0_i32_0 = arith.constant 0 : i32
    %c0_i32_1 = arith.constant 0 : i32
    return %c0_i32, %c0_i32_0 : i32, i32
  }
  func.func @transform_3(%arg0: i32) -> (i32, i32) {
    %c0_i32 = arith.constant 0 : i32
    %c0_i32_0 = arith.constant 0 : i32
    %c0_i32_1 = arith.constant 0 : i32
    return %c0_i32, %c0_i32_0 : i32, i32
  }
  func.func @transform_4(%arg0: i32) -> (i32, i32) {
    %c0_i32 = arith.constant 0 : i32
    %c0_i32_0 = arith.constant 0 : i32
    %c0_i32_1 = arith.constant 0 : i32
    return %c0_i32, %c0_i32_0 : i32, i32
  }
  func.func @transform_5(%arg0: i32) -> (i32, i32) {
    %c0_i32 = arith.constant 0 : i32
    %c0_i32_0 = arith.constant 0 : i32
    %c0_i32_1 = arith.constant 0 : i32
    return %c0_i32, %c0_i32_0 : i32, i32
  }
  func.func @transform_6(%arg0: i32) -> (i32, i32) {
    %c0_i32 = arith.constant 0 : i32
    %c0_i32_0 = arith.constant 0 : i32
    %c0_i32_1 = arith.constant 0 : i32
    return %c0_i32, %c0_i32_0 : i32, i32
  }
  func.func @transform_7(%arg0: i32) -> (i32, i32) {
    %c0_i32 = arith.constant 0 : i32
    %c0_i32_0 = arith.constant 0 : i32
    %c0_i32_1 = arith.constant 0 : i32
    return %c0_i32, %c0_i32_0 : i32, i32
  }
  func.func @transform_8(%arg0: i32) -> (i32, i32) {
    %c0_i32 = arith.constant 0 : i32
    %c0_i32_0 = arith.constant 0 : i32
    return %arg0, %c0_i32 : i32, i32
  }
}

</mosaic_0001>

<sc_bundles>
// kernel: kernel.4.cloned.1.call-start
scs
__scs_entry_jumppad:
0x0: {  	(pc) =	sbr.rel $0x88, $3  }
0x1: {  	(tag) =	ssettag $0x0;
	lr =	simm.s32 $0x1  }
0x2: {  	[smem:$0x3F98] =	sst lr;
	_ =	strace $0xD0000000  }
0x3: {  	_ = 	snop  }
0x4: {  	_ = 	snop  }
0x5: {  	_ = 	snop  }
0x6: {  	_ = 	snop  }
0x7: {  	_ = 	snop  }
__scs_overlays_trampoline_lowered:
0x8: {  	[smem:$0x3FA7] =	sst s0  }
0x9: {  	[smem:$0x3FA8] =	sst s1  }
0xa: {  	[smem:$0x3FA9] =	sst s2  }
0xb: {  	[smem:$0x3FAA] =	sst s3  }
0xc: {  	[smem:$0x3FAB] =	sst s4  }
0xd: {  	[smem:$0x3FAC] =	sst s5  }
0xe: {  	[smem:$0x3FAD] =	sst s6  }
0xf: {  	[smem:$0x3FAE] =	sst s7  }
0x10: {  	[smem:$0x3FAF] =	sst s8  }
0x11: {  	[smem:$0x3FB0] =	sst s9;
	s0 =	simm.s32 @!p0 $0x0  }
0x12: {  	s1 =	sld [smem:$0x3F96];
	s0 =	simm.s32 @p0 $0x1  }
0x13: {  	[smem:$0x3FB1] =	sst s0;
	s0 =	simm.s32 @!p1 $0x0  }
0x14: {  	s2 =	sld [smem:$0x3F95];
	s0 =	simm.s32 @p1 $0x1  }
0x15: {  	[smem:$0x3FB2] =	sst s0;
	s0 =	simm.s32 @!p2 $0x0  }
0x16: {  	s3 =	sld [smem:$0x3FDB];
	s0 =	simm.s32 @p2 $0x1  }
0x17: {  	s4 =	simm.s32 $0x1BF5;
	[smem:$0x3FB4] =	sst s0  }
0x18: {  	s0 =	sld [smem:$0x3F97];
	_ =	swait.ge [sflag:s4], $0x0  }
0x19: {  	s7 =	sld [smem:$0x3F98]  }
0x1a: {  	s8 =	sadd.s32 $0xFFFFE003, lr  }
0x1b: {  	s9 =	sadd.s32 $0xFFFFFEF7, lr;
	s5 =	simm.s32 $0xFFFFFFFF;
	p2 =	slt.u32 s8, $0xFFFFF086  }
0x1c: {  	p1 =	slt.u32 s9, $0xF7A;
	s5 =	simm.s32 @!p2 $0x0  }
0x1d: {  	s5 =	simm.s32 @p1 $0x1;
	p0 =	seq.s32 s7, s2  }
0x1e: {  	s7 =	smul.u32 @!p0 $0xF7A, s2;
	p2 =	seq.s32 @!p0 s5, $0x0  }
0x1f: {  	s9 =	smul.u32 $0xF7A, s1;
	s8 =	simm.s32 @!p0 $0x1BF5;
	p2 =	por !p2, p0  }
0x20: {  	[sflag:s8] =	ssyncset.s32 @!p0 $0xFFFFF086;
	s6 =	sadd.s32 @!p0 s3, s7;
	s7 =	simm.s32 @!p0 $0x108  }
0x21: {  	s3 =	sadd.s32 s3, s9;
	s6 =	sadd.s32 @!p0 $0x88, s6;
	s7 =	simm.s32 @p2 $0x1082  }
0x22: {  	[simem:s7], [sflag:s8] =	dma.local @!p0 [hbm:s6], $0xF7A  }
0x23: {  	s9 =	sor.u32 $0xD0000000, s2;
	s6 =	simm.s32 $0x108;
	_ =	swait.ge @!p0 [sflag:s8], $0x0  }
0x24: {  	s3 =	sadd.s32 $0x88, s3;
	s6 =	simm.s32 @!p1 $0x1082;
	[sflag:s4] =	ssyncset.s32 $0xFFFFF086  }
0x25: {  	[simem:s6], [sflag:s4] =	dma.local [hbm:s3], $0xF7A  }
0x26: {  	[smem:$0x3F98] =	sst s1;
	(tag) =	ssettag s2;
	_ =	strace s9  }
0x27: {  	s1 =	sld [smem:$0x3FA8]  }
0x28: {  	s2 =	sld [smem:$0x3FA9]  }
0x29: {  	s4 =	sld [smem:$0x3FAB]  }
0x2a: {  	p0 =	seq.s32 s5, $0x0;
	s5 =	sld [smem:$0x3FAC]  }
0x2b: {  	s6 =	sld [smem:$0x3FAD]  }
0x2c: {  	s7 =	sld [smem:$0x3FAE]  }
0x2d: {  	s3 =	simm.s32 $0x108;
	s8 =	sld [smem:$0x3FAF]  }
0x2e: {  	s3 =	simm.s32 @!p0 $0x1082;
	s9 =	sld [smem:$0x3FB0]  }
0x2f: {  	lr =	sadd.s32 s0, s3;
	s0 =	sld [smem:$0x3FA7]  }
0x30: {  	s3 =	sld [smem:$0x3FAA]  }
0x31: {  	[smem:$0x3FB3] =	sst s10  }
0x32: {  	s10 =	sld [smem:$0x3FB1];
	_ =	sdelay $0x3  }
0x33: {  	p0 =	seq.s32 s10, $0x1;
	s10 =	sld [smem:$0x3FB3];
	_ =	sdelay $0x3  }
0x34: {  	[smem:$0x3FB3] =	sst s10  }
0x35: {  	s10 =	sld [smem:$0x3FB2];
	_ =	sdelay $0x3  }
0x36: {  	p1 =	seq.s32 s10, $0x1;
	s10 =	sld [smem:$0x3FB3];
	_ =	sdelay $0x3  }
0x37: {  	[smem:$0x3FB3] =	sst s10  }
0x38: {  	s10 =	sld [smem:$0x3FB4]  }
0x39: {  	_ = 	snop;
	(pc) =	sbr.ind lr, $3  }
0x3a: {  	_ = 	snop  }
0x3b: {  	_ = 	snop  }
0x3c: {  	p2 =	seq.s32 s10, $0x1;
	s10 =	sld [smem:$0x3FB3]  }
0x3d: {  	_ =	shalt  }
0x3e: {  	_ =	shalt  }
0x3f: {  	_ =	shalt  }
0x40: {  	_ =	shalt  }
0x41: {  	_ =	shalt  }
0x42: {  	_ =	shalt  }
0x43: {  	_ =	shalt  }
0x44: {  	_ =	shalt  }
0x45: {  	_ =	shalt  }
0x46: {  	_ =	shalt  }
0x47: {  	_ =	shalt  }
0x48: {  	_ =	shalt  }
0x49: {  	_ =	shalt  }
0x4a: {  	_ =	shalt  }
0x4b: {  	_ =	shalt  }
0x4c: {  	_ =	shalt  }
0x4d: {  	_ =	shalt  }
0x4e: {  	_ =	shalt  }
0x4f: {  	_ =	shalt  }
0x50: {  	_ =	shalt  }
0x51: {  	_ =	shalt  }
0x52: {  	_ =	shalt  }
0x53: {  	_ =	shalt  }
0x54: {  	_ =	shalt  }
0x55: {  	_ =	shalt  }
0x56: {  	_ =	shalt  }
0x57: {  	_ =	shalt  }
0x58: {  	_ =	shalt  }
0x59: {  	_ =	shalt  }
0x5a: {  	_ =	shalt  }
0x5b: {  	_ =	shalt  }
0x5c: {  	_ =	shalt  }
0x5d: {  	_ =	shalt  }
0x5e: {  	_ =	shalt  }
0x5f: {  	_ =	shalt  }
0x60: {  	_ =	shalt  }
0x61: {  	_ =	shalt  }
0x62: {  	_ =	shalt  }
0x63: {  	_ =	shalt  }
0x64: {  	_ =	shalt  }
0x65: {  	_ =	shalt  }
0x66: {  	_ =	shalt  }
0x67: {  	_ =	shalt  }
0x68: {  	_ =	shalt  }
0x69: {  	_ =	shalt  }
0x6a: {  	_ =	shalt  }
0x6b: {  	_ =	shalt  }
0x6c: {  	_ =	shalt  }
0x6d: {  	_ =	shalt  }
0x6e: {  	_ =	shalt  }
0x6f: {  	_ =	shalt  }
0x70: {  	_ =	shalt  }
0x71: {  	_ =	shalt  }
0x72: {  	_ =	shalt  }
0x73: {  	_ =	shalt  }
0x74: {  	_ =	shalt  }
0x75: {  	_ =	shalt  }
0x76: {  	_ =	shalt  }
0x77: {  	_ =	shalt  }
0x78: {  	_ =	shalt  }
0x79: {  	_ =	shalt  }
0x7a: {  	_ =	shalt  }
0x7b: {  	_ =	shalt  }
0x7c: {  	_ =	shalt  }
0x7d: {  	_ =	shalt  }
0x7e: {  	_ =	shalt  }
0x7f: {  	_ =	shalt  }
0x80: {  	_ =	shalt  }
0x81: {  	_ =	shalt  }
0x82: {  	_ =	shalt  }
0x83: {  	_ =	shalt  }
0x84: {  	_ =	shalt  }
0x85: {  	_ =	shalt  }
0x86: {  	_ =	shalt  }
0x87: {  	_ =	shalt  }
.Lfunc_end0:
.L_simem_size_0:
called_computation_lowered:
.L_overlay_start_0:
0x88: {  	s2 =	sld [smem:$0x3FD9]  }
0x89: {  	s3 =	sld [smem:$0x3FFE];
	_ =	sdelay $0x1  }
0x8a: {  	s1 =	srdreg.scid  }
0x8b: {  	s0 =	sand.u32 $0x1, s1  }
0x8c: {  	s17 =	sshll.u32 s0, $0xA;
	s2 =	sadd.s32 s3, s2  }
0x8d: {  	s2 =	sadd.s32 s2, s17  }
0x8e: {  	[smem:$0x3FBF] =	sst s2  }
0x8f: {  	_ = 	snop  }
0x90: {  	s2 =	sld [smem:$0x3FD0];
	(tm) =	ssettm $0x1  }
0x91: {  	s18 =	sld [smem:$0x3FFB];
	_ =	sdelay $0x3  }
0x92: {  	_ =	strace s18  }
0x93: {  	s3 =	sld [smem:$0x3FFC];
	_ =	sdelay $0x3  }
0x94: {  	_ =	strace s3  }
0x95: {  	s3 =	sld [smem:$0x3FFD];
	_ =	sdelay $0x3  }
0x96: {  	_ =	strace s3  }
0x97: {  	_ =	strace $0x8FFFFFFF  }
0x98: {  	s19 =	sld [smem:$0x3FDB];
	_ =	sdelay $0x1  }
0x99: {  	s4 =	simm.s32 $_scs_section_size  }
0x9a: {  	s5 =	simm.s32 $_size__tile_overlayer_lowered;
	s6 =	simm.s32 $_tile_overlayer_lowered  }
0x9b: {  	s22 =	simm.s32 $0x1BFF;
	s21 =	sshll.u32 s6, $0x1;
	s3 =	sadd.s32 s4, s19  }
0x9c: {  	s7 =	simm.s32 $0x0;
	s20 =	sshll.u32 s5, $0x1;
	s5 =	sadd.s32 s21, s3  }
0x9d: {  	[timem:s7], [sflag:s22] =	dma.local [hbm:s5], s20  }
0x9e: {  	_ =	swait.ge [sflag:s22], s20  }
0x9f: {  	s4 =	ssub.s32 $0x0, s20;
	[sflag:s22] =	ssyncset.done $0x0  }
0xa0: {  	[sflag:s22] =	ssyncadd.s32 s4;
	_ =	sdelay $0x1  }
0xa1: {  	s23 =	simm.s32 $0x1B8B  }
0xa2: {  	_ =	swait.ge [sflag:s23], $0x1  }
0xa3: {  	[sflag:s23] =	ssyncset.done $0x0  }
0xa4: {  	s25 =	simm.s32 $0x1B8E;
	s24 =	sld [smem:$0x3FFE];
	[sflag:s23] =	ssyncadd.s32 $0xFFFFFFFF  }
0xa5: {  	s26 =	simm.s32 $execute0_lowered;
	[smem:$0x3FD2] =	sst s25  }
0xa6: {  	s5 =	sshll.u32 s26, $0x1;
	_ =	strace $0x80000046;
	[dreg:$0x1] =	wrdreg $0xFFFFFFFF  }
0xa7: {  	s28 =	simm.s32 $_size_execute0_lowered;
	s3 =	sadd.s32 s3, s5;
	[dreg:$0x0] =	wrdreg $0x0  }
0xa8: {  	s5 =	sshll.u32 s28, $0x1;
	[dreg:$0x2] =	wrdreg s3  }
0xa9: {  	[dreg:$0x3] =	wrdreg s5  }
0xaa: {  	[dreg:$0x4] =	wrdreg $0xC0  }
0xab: {  	_ =	task [dreg:s7], $0x5FFFF  }
0xac: {  	[dreg:$0x1] =	wrdreg $0xFFFFFFFF  }
0xad: {  	[dreg:$0x0] =	wrdreg $0x60  }
0xae: {  	[dreg:$0x2] =	wrdreg s24  }
0xaf: {  	[dreg:$0x3] =	wrdreg s2  }
0xb0: {  	[dreg:$0x4] =	wrdreg $0x9  }
0xb1: {  	_ =	task.clear_ibuf [dreg:s7], $0x5FFFF;
	_ =	strace $0x90000046  }
0xb2: {  	s29 =	simm.s32 $0x9;
	_ =	strace $0x80000048  }
0xb3: {  	_ =	swait.ge [sflag:s29], $0x1  }
0xb4: {  	[sflag:s29] =	ssyncadd.s32 $0xFFFFFFFF  }
0xb5: {  	_ =	strace $0x90000048  }
0xb6: {  	_ =	sfence  }
0xb7: {  	s30 =	sld [smem:$0x0];
	_ =	sdelay $0x2  }
0xb8: {  	s31 =	sshll.u32 s1, $0xD;
	s1 =	sshrl.u32 s1, $0x2  }
0xb9: {  	s3 =	sand.u32 $0x4000, s31;
	s1 =	sadd.s32 s1, s30  }
0xba: {  	s0 =	sor.u32 s3, s0;
	s1 =	sshll.u32 s1, $0x11  }
0xbb: {  	s0 =	sor.u32 s1, s0  }
0xbc: {  	s0 =	sadd.s32 $0x8F2B, s0  }
0xbd: {  	[sflag:s0] =	ssyncadd.remote.s32 $0x1  }
0xbe: {  	_ =	sfence.sel $0xFFFF  }
0xbf: {  	[dreg:$0x0] =	wrdreg $0xFFFFFFFF;
	(pc) =	sbr.abs _section_cstart, $3  }
0xc0: {  	[dreg:$0x1] =	wrdreg $0xFFFFFFFF  }
0xc1: {  	_ =	task.clear_ibuf [dreg:s7], $0x2FFFF;
	_ =	strace $0x9FFFFFFF  }
0xc2: {  	(tm) =	ssettm $0x7FFFFFFF  }
0xc3: {  	_ =	shalt  }
tec
execute0_lowered:
.L_overlay_start_1:
0x0: {  	(tag) =	ssettag $0x1  }
0x1: {  	s0 =	srdreg.scid  }
0x2: {  	s1 =	stileid.u32;
	s2 =	rddreg [dreg:$0x0];
	s3 =	simm.s32 $0x0  }
0x3: {  	s28 =	simm.s32 $0x6800;
	s29 =	simm.s32 $0x13800;
	s30 =	simm.s32 $0xD000  }
0x4: {  	s31 =	simm.s32 $0x13E80;
	s0 =	sand.u32 $0x1, s0;
	s1 =	sshll.u32 s1, $0x1  }
0x5: {  	[smem:$0x7FF] =	sst s3;
	s4 =	sadd.s32 $0x27AE200, s2;
	s1 =	sor.u32 s0, s1  }
0x6: {  	s5 =	sadd.s32 $0xEE00, s2;
	s0 =	ssub.s32 $0x2, s0;
	s6 =	smul.u32 $0x3400, s1  }
0x7: {  	s9 =	sadd.s32 $0x5E400, s2;
	s10 =	sshrl.u32 s0, $0x1;
	s1 =	smul.u32 $0x6800, s1  }
0x8: {  	_ =	strace $0x80000047;
	s0 =	ssub.s32 s0, s10;
	s7 =	sshrl.u32 s6, $0x3  }
0x9: {  	s1 =	sadd.s32 s9, s1;
	s10 =	sadd.s32 $0x680, s6;
	s12 =	sadd.s32 $0xD00, s6  }
0xa: {  	s15 =	sadd.s32 $0x1380, s6;
	s17 =	sadd.s32 $0x1A00, s6;
	s19 =	sadd.s32 $0x2080, s6  }
0xb: {  	s22 =	sadd.s32 $0x2700, s6;
	s6 =	sadd.s32 $0x2D80, s6;
	s8 =	sadd.s32 s7, s2  }
0xc: {  	s2 =	sadd.s32 $0x12E400, s2;
	[dreg:$0x4] =	wrdreg s1;
	s11 =	sshll.u32 s10, $0x1  }
0xd: {  	s1 =	sshrl.u32 s10, $0x3;
	s13 =	sshll.u32 s12, $0x1;
	s14 =	sshrl.u32 s12, $0x3  }
0xe: {  	s16 =	sshll.u32 s15, $0x1;
	s18 =	sshll.u32 s17, $0x1;
	s20 =	sshll.u32 s19, $0x1  }
0xf: {  	s21 =	sshrl.u32 s19, $0x3;
	s23 =	sshll.u32 s22, $0x1;
	s24 =	sshrl.u32 s22, $0x3  }
0x10: {  	s25 =	sshll.u32 s6, $0x1;
	s26 =	sshrl.u32 s6, $0x3;
	s6 =	simm.s32 $0x1A00  }
0x11: {  	s10 =	simm.s32 $0x0;
	s8 =	sadd.s32 $0x1E00, s8;
	s1 =	sadd.s32 s2, s1  }
0x12: {  	s19 =	sadd.s32 s9, s23;
	s22 =	sadd.s32 s2, s26;
	[dreg:$0x3] =	wrdreg s8  }
0x13: {  	s23 =	smax.u32 s0, $0x1;
	s8 =	sadd.s32 s2, s7;
	[dreg:$0x7] =	wrdreg s1  }
0x14: {  	s26 =	simm.s32 $0x680;
	s7 =	sadd.s32 s9, s11;
	[dreg:$0x5] =	wrdreg s8  }
0x15: {  	s0 =	simm.s32 $0x2;
	s1 =	sadd.s32 s9, s13;
	[dreg:$0x6] =	wrdreg s7  }
0x16: {  	[dreg:$0x8] =	wrdreg s1;
	s1 =	sadd.s32 s2, s14;
	s7 =	sshrl.u32 s15, $0x3  }
0x17: {  	s15 =	sadd.s32 s9, s18;
	s18 =	sadd.s32 s2, s21;
	s21 =	sadd.s32 s9, s25  }
0x18: {  	s25 =	simm.s32 $0x1380;
	s8 =	simm.s32 $0x2700;
	[dreg:$0x9] =	wrdreg s1  }
0x19: {  	s1 =	sadd.s32 s9, s16;
	s14 =	sadd.s32 s2, s7;
	s7 =	simm.s32 $0x2080  }
0x1a: {  	[dreg:$0xa] =	wrdreg s1;
	s1 =	sshrl.u32 s17, $0x3;
	s17 =	sadd.s32 s9, s20  }
0x1b: {  	s20 =	sadd.s32 s2, s24;
	s24 =	simm.s32 $0x3;
	s9 =	simm.s32 $0x2D80  }
0x1c: {  	s16 =	sadd.s32 s2, s1;
	s1 =	simm.s32 $0x1;
	s2 =	simm.s32 $0xD00  }
.LBB2_1:
0x1d: {  	s11 =	rddreg [dreg:$0x3]  }
0x1e: {  	[tilespmem:s3], [sflag:$0x3] =	stream.linear.gather [hbm4b:s11+s3], $0x3400, $0x38;
	[tilespmem:$0x14500] =	vst v63  }
0x1f: {  	_ =	swait.ge [sflag:s24], $0x3400  }
0x20: {  	[sflag:s24] =	ssyncset.done $0x0  }
0x21: {  	[sflag:s24] =	ssyncadd.s32 $0xFFFFCC00  }
0x22: {  	s12 =	simm.s32 $0x3400;
	s13 =	rddreg [dreg:$0x1]  }
0x23: {  	[tilespmem:s12], [sflag:$0x3] =	stream.linear.gather [hbm4b:s13+s3], $0x3400, $0x38;
	[tilespmem:$0x14500] =	vst v63  }
0x24: {  	_ =	swait.ge [sflag:s24], $0x3400  }
0x25: {  	[sflag:s24] =	ssyncset.done $0x0  }
0x26: {  	s11 =	simm.s32 $0x0;
	[sflag:s24] =	ssyncadd.s32 $0xFFFFCC00  }
0x27: {  	v6 =	vld [tilespmem:s11+$0x3400]  }
0x28: {  	v8 =	vld [tilespmem:s11+$0x3410]  }
0x29: {  	v5 =	vld [tilespmem:s11+$0x3420]  }
0x2a: {  	v4 =	vld [tilespmem:s11+$0x3430]  }
0x2b: {  	v3 =	vld [tilespmem:s11+$0x3440]  }
0x2c: {  	v2 =	vld [tilespmem:s11+$0x3450]  }
0x2d: {  	v1 =	vld [tilespmem:s11+$0x3460]  }
0x2e: {  	v0 =	vld [tilespmem:s11+$0x3470]  }
0x2f: {  	v11 =	vld [tilespmem:s11+$0x0]  }
0x30: {  	v12 =	vld [tilespmem:s11+$0x10]  }
0x31: {  	v10 =	vld [tilespmem:s11+$0x20]  }
0x32: {  	v9 =	vld [tilespmem:s11+$0x30]  }
0x33: {  	v7 =	vld [tilespmem:s11+$0x40]  }
0x34: {  	v11 =	vadd.s32 v11, v6;
	v6 =	vld [tilespmem:s11+$0x50]  }
0x35: {  	s12 =	simm.s32 $0x200;
	[tilespmem:s11+$0x0] =	vst v11;
	v11 =	vadd.s32 v12, v8;
	v8 =	vld [tilespmem:s11+$0x60]  }
.LBB2_2:
0x36: {  	s13 =	sshra.s32 s12, $0x2;
	p0 =	sne.s32 s12, $0xCE00;
	[tilespmem:s11+$0x10] =	vst v11;
	v5 =	vadd.s32 v10, v5;
	v10 =	vld [tilespmem:s11+$0x70]  }
0x37: {  	v11 =	vld [tilespmem:s13+$0x3400];
	[tilespmem:s11+$0x20] =	vst v5;
	v4 =	vadd.s32 v9, v4  }
0x38: {  	v12 =	vld [tilespmem:s13+$0x3410];
	[tilespmem:s11+$0x30] =	vst v4;
	v3 =	vadd.s32 v7, v3  }
0x39: {  	v5 =	vld [tilespmem:s13+$0x3420];
	[tilespmem:s11+$0x40] =	vst v3;
	v2 =	vadd.s32 v6, v2  }
0x3a: {  	v4 =	vld [tilespmem:s13+$0x3430];
	[tilespmem:s11+$0x50] =	vst v2;
	v1 =	vadd.s32 v8, v1  }
0x3b: {  	v3 =	vld [tilespmem:s13+$0x3440];
	[tilespmem:s11+$0x60] =	vst v1;
	v0 =	vadd.s32 v10, v0  }
0x3c: {  	v2 =	vld [tilespmem:s13+$0x3450];
	[tilespmem:s11+$0x70] =	vst v0;
	s11 =	smov.u32 s13  }
0x3d: {  	v1 =	vld [tilespmem:s11+$0x3460]  }
0x3e: {  	v0 =	vld [tilespmem:s11+$0x3470]  }
0x3f: {  	v6 =	vld [tilespmem:s11+$0x0]  }
0x40: {  	v8 =	vld [tilespmem:s11+$0x10]  }
.Ltmp0:
0x41: {  	v10 =	vld [tilespmem:s11+$0x20];
	(pc) =	sbr.rel @p0 .LBB2_2-.Ltmp0, $4  }
0x42: {  	v9 =	vld [tilespmem:s11+$0x30]  }
0x43: {  	v7 =	vld [tilespmem:s11+$0x40]  }
0x44: {  	v11 =	vadd.s32 v6, v11;
	v6 =	vld [tilespmem:s11+$0x50]  }
0x45: {  	s12 =	sadd.s32 $0x200, s12;
	[tilespmem:s11+$0x0] =	vst v11;
	v11 =	vadd.s32 v8, v12;
	v8 =	vld [tilespmem:s11+$0x60]  }
0x46: {  	[tilespmem:s11+$0x10] =	vst v11;
	v5 =	vadd.s32 v10, v5;
	v63 =	vld [tilespmem:s11+$0x70]  }
0x47: {  	[tilespmem:s11+$0x20] =	vst v5;
	v4 =	vadd.s32 v9, v4  }
0x48: {  	[tilespmem:s11+$0x30] =	vst v4;
	v3 =	vadd.s32 v7, v3  }
0x49: {  	[tilespmem:s11+$0x40] =	vst v3;
	v2 =	vadd.s32 v6, v2  }
0x4a: {  	[tilespmem:s11+$0x50] =	vst v2;
	v1 =	vadd.s32 v8, v1  }
0x4b: {  	[tilespmem:s11+$0x60] =	vst v1;
	v0 =	vadd.s32 v63, v0  }
0x4c: {  	[tilespmem:s11+$0x70] =	vst v0  }
0x4d: {  	[tilespmem:s28], [sflag:$0x1] =	stream.indirect.gather [hbm4b:s4+s26], $0x10, s3, s26, $0xb8;
	[tilespmem:$0x14500] =	vst v63  }
0x4e: {  	_ = 	snop  }
0x4f: {  	[tilespmem:s29], [sflag:$0x2] =	stream.indirect.gather [hbm4b:s5+s26], $0x1, s3, s26, $0xb8;
	[tilespmem:$0x14500] =	vst v63  }
0x50: {  	_ = 	snop  }
0x51: {  	[tilespmem:s30], [sflag:$0x1] =	stream.indirect.gather [hbm4b:s4+s26], $0x10, s26, s26, $0xb8;
	[tilespmem:$0x14500] =	vst v63  }
0x52: {  	_ = 	snop  }
0x53: {  	[tilespmem:s31], [sflag:$0x2] =	stream.indirect.gather [hbm4b:s5+s26], $0x1, s26, s26, $0xb8;
	[tilespmem:$0x14500] =	vst v63  }
0x54: {  	_ =	swait.ge [sflag:s1], $0x6800  }
0x55: {  	[sflag:s1] =	ssyncset.done $0x0  }
0x56: {  	s13 =	rddreg [dreg:$0x4];
	[sflag:s1] =	ssyncadd.s32 $0xFFFF9800  }
0x57: {  	[hbm4b:s13+s3] =	stream.linear.scatter [tilespmem:s28], [sflag:$0x3], $0x6800, $0x38;
	[tilespmem:$0x14500] =	vst v63  }
0x58: {  	_ =	swait.ge [sflag:s24], $0x6800  }
0x59: {  	[sflag:s24] =	ssyncset.done $0x0  }
0x5a: {  	[sflag:s24] =	ssyncadd.s32 $0xFFFF9800  }
0x5b: {  	_ =	swait.ge [sflag:s0], $0x680  }
0x5c: {  	[sflag:s0] =	ssyncset.done $0x0  }
0x5d: {  	s12 =	rddreg [dreg:$0x5];
	[sflag:s0] =	ssyncadd.s32 $0xFFFFF980  }
0x5e: {  	[hbm4b:s12+s3] =	stream.linear.scatter [tilespmem:s29], [sflag:$0x3], $0x680, $0x38;
	[tilespmem:$0x14500] =	vst v63  }
0x5f: {  	_ =	swait.ge [sflag:s24], $0x680  }
0x60: {  	[sflag:s24] =	ssyncset.done $0x0  }
0x61: {  	[sflag:s24] =	ssyncadd.s32 $0xFFFFF980  }
0x62: {  	[tilespmem:s28], [sflag:$0x1] =	stream.indirect.gather [hbm4b:s4+s26], $0x10, s2, s26, $0xb8;
	[tilespmem:$0x14500] =	vst v63  }
0x63: {  	_ = 	snop  }
0x64: {  	[tilespmem:s29], [sflag:$0x2] =	stream.indirect.gather [hbm4b:s5+s26], $0x1, s2, s26, $0xb8;
	[tilespmem:$0x14500] =	vst v63  }
0x65: {  	_ =	swait.ge [sflag:s1], $0x6800  }
0x66: {  	[sflag:s1] =	ssyncset.done $0x0  }
0x67: {  	s13 =	rddreg [dreg:$0x6];
	[sflag:s1] =	ssyncadd.s32 $0xFFFF9800  }
0x68: {  	[hbm4b:s13+s3] =	stream.linear.scatter [tilespmem:s30], [sflag:$0x3], $0x6800, $0x38;
	[tilespmem:$0x14500] =	vst v63  }
0x69: {  	_ =	swait.ge [sflag:s24], $0x6800  }
0x6a: {  	[sflag:s24] =	ssyncset.done $0x0  }
0x6b: {  	[sflag:s24] =	ssyncadd.s32 $0xFFFF9800  }
0x6c: {  	_ =	swait.ge [sflag:s0], $0x680  }
0x6d: {  	[sflag:s0] =	ssyncset.done $0x0  }
0x6e: {  	s12 =	rddreg [dreg:$0x7];
	[sflag:s0] =	ssyncadd.s32 $0xFFFFF980  }
0x6f: {  	[hbm4b:s12+s3] =	stream.linear.scatter [tilespmem:s31], [sflag:$0x3], $0x680, $0x38;
	[tilespmem:$0x14500] =	vst v63  }
0x70: {  	_ =	swait.ge [sflag:s24], $0x680  }
0x71: {  	[sflag:s24] =	ssyncset.done $0x0  }
0x72: {  	[sflag:s24] =	ssyncadd.s32 $0xFFFFF980  }
0x73: {  	[tilespmem:s30], [sflag:$0x1] =	stream.indirect.gather [hbm4b:s4+s26], $0x10, s25, s26, $0xb8;
	[tilespmem:$0x14500] =	vst v63  }
0x74: {  	_ = 	snop  }
0x75: {  	[tilespmem:s31], [sflag:$0x2] =	stream.indirect.gather [hbm4b:s5+s26], $0x1, s25, s26, $0xb8;
	[tilespmem:$0x14500] =	vst v63  }
0x76: {  	_ =	swait.ge [sflag:s1], $0x6800  }
0x77: {  	[sflag:s1] =	ssyncset.done $0x0  }
0x78: {  	s13 =	rddreg [dreg:$0x8];
	[sflag:s1] =	ssyncadd.s32 $0xFFFF9800  }
0x79: {  	[hbm4b:s13+s3] =	stream.linear.scatter [tilespmem:s28], [sflag:$0x3], $0x6800, $0x38;
	[tilespmem:$0x14500] =	vst v63  }
0x7a: {  	_ =	swait.ge [sflag:s24], $0x6800  }
0x7b: {  	[sflag:s24] =	ssyncset.done $0x0  }
0x7c: {  	[sflag:s24] =	ssyncadd.s32 $0xFFFF9800  }
0x7d: {  	_ =	swait.ge [sflag:s0], $0x680  }
0x7e: {  	[sflag:s0] =	ssyncset.done $0x0  }
0x7f: {  	s12 =	rddreg [dreg:$0x9];
	[sflag:s0] =	ssyncadd.s32 $0xFFFFF980  }
0x80: {  	[hbm4b:s12+s3] =	stream.linear.scatter [tilespmem:s29], [sflag:$0x3], $0x680, $0x38;
	[tilespmem:$0x14500] =	vst v63  }
0x81: {  	_ =	swait.ge [sflag:s24], $0x680  }
0x82: {  	[sflag:s24] =	ssyncset.done $0x0  }
0x83: {  	[sflag:s24] =	ssyncadd.s32 $0xFFFFF980  }
0x84: {  	[tilespmem:s28], [sflag:$0x1] =	stream.indirect.gather [hbm4b:s4+s26], $0x10, s6, s26, $0xb8;
	[tilespmem:$0x14500] =	vst v63  }
0x85: {  	_ = 	snop  }
0x86: {  	[tilespmem:s29], [sflag:$0x2] =	stream.indirect.gather [hbm4b:s5+s26], $0x1, s6, s26, $0xb8;
	[tilespmem:$0x14500] =	vst v63  }
0x87: {  	_ =	swait.ge [sflag:s1], $0x6800  }
0x88: {  	[sflag:s1] =	ssyncset.done $0x0  }
0x89: {  	s13 =	rddreg [dreg:$0xa];
	[sflag:s1] =	ssyncadd.s32 $0xFFFF9800  }
0x8a: {  	[hbm4b:s13+s3] =	stream.linear.scatter [tilespmem:s30], [sflag:$0x3], $0x6800, $0x38;
	[tilespmem:$0x14500] =	vst v63  }
0x8b: {  	_ =	swait.ge [sflag:s24], $0x6800  }
0x8c: {  	[sflag:s24] =	ssyncset.done $0x0  }
0x8d: {  	[sflag:s24] =	ssyncadd.s32 $0xFFFF9800  }
0x8e: {  	_ =	swait.ge [sflag:s0], $0x680  }
0x8f: {  	[sflag:s0] =	ssyncset.done $0x0  }
0x90: {  	[sflag:s0] =	ssyncadd.s32 $0xFFFFF980  }
0x91: {  	[hbm4b:s14+s3] =	stream.linear.scatter [tilespmem:s31], [sflag:$0x3], $0x680, $0x38;
	[tilespmem:$0x14500] =	vst v63  }
0x92: {  	_ =	swait.ge [sflag:s24], $0x680  }
0x93: {  	[sflag:s24] =	ssyncset.done $0x0  }
0x94: {  	[sflag:s24] =	ssyncadd.s32 $0xFFFFF980  }
0x95: {  	[tilespmem:s30], [sflag:$0x1] =	stream.indirect.gather [hbm4b:s4+s26], $0x10, s7, s26, $0xb8;
	[tilespmem:$0x14500] =	vst v63  }
0x96: {  	_ = 	snop  }
0x97: {  	[tilespmem:s31], [sflag:$0x2] =	stream.indirect.gather [hbm4b:s5+s26], $0x1, s7, s26, $0xb8;
	[tilespmem:$0x14500] =	vst v63  }
0x98: {  	_ =	swait.ge [sflag:s1], $0x6800  }
0x99: {  	[sflag:s1] =	ssyncset.done $0x0  }
0x9a: {  	[sflag:s1] =	ssyncadd.s32 $0xFFFF9800  }
0x9b: {  	[hbm4b:s15+s3] =	stream.linear.scatter [tilespmem:s28], [sflag:$0x3], $0x6800, $0x38;
	[tilespmem:$0x14500] =	vst v63  }
0x9c: {  	_ =	swait.ge [sflag:s24], $0x6800  }
0x9d: {  	[sflag:s24] =	ssyncset.done $0x0  }
0x9e: {  	[sflag:s24] =	ssyncadd.s32 $0xFFFF9800  }
0x9f: {  	_ =	swait.ge [sflag:s0], $0x680  }
0xa0: {  	[sflag:s0] =	ssyncset.done $0x0  }
0xa1: {  	[sflag:s0] =	ssyncadd.s32 $0xFFFFF980  }
0xa2: {  	[hbm4b:s16+s3] =	stream.linear.scatter [tilespmem:s29], [sflag:$0x3], $0x680, $0x38;
	[tilespmem:$0x14500] =	vst v63  }
0xa3: {  	_ =	swait.ge [sflag:s24], $0x680  }
0xa4: {  	[sflag:s24] =	ssyncset.done $0x0  }
0xa5: {  	[sflag:s24] =	ssyncadd.s32 $0xFFFFF980  }
0xa6: {  	[tilespmem:s28], [sflag:$0x1] =	stream.indirect.gather [hbm4b:s4+s26], $0x10, s8, s26, $0xb8;
	[tilespmem:$0x14500] =	vst v63  }
0xa7: {  	_ = 	snop  }
0xa8: {  	[tilespmem:s29], [sflag:$0x2] =	stream.indirect.gather [hbm4b:s5+s26], $0x1, s8, s26, $0xb8;
	[tilespmem:$0x14500] =	vst v63  }
0xa9: {  	_ =	swait.ge [sflag:s1], $0x6800  }
0xaa: {  	[sflag:s1] =	ssyncset.done $0x0  }
0xab: {  	[sflag:s1] =	ssyncadd.s32 $0xFFFF9800  }
0xac: {  	[hbm4b:s17+s3] =	stream.linear.scatter [tilespmem:s30], [sflag:$0x3], $0x6800, $0x38;
	[tilespmem:$0x14500] =	vst v63  }
0xad: {  	_ =	swait.ge [sflag:s24], $0x6800  }
0xae: {  	[sflag:s24] =	ssyncset.done $0x0  }
0xaf: {  	[sflag:s24] =	ssyncadd.s32 $0xFFFF9800  }
0xb0: {  	_ =	swait.ge [sflag:s0], $0x680  }
0xb1: {  	[sflag:s0] =	ssyncset.done $0x0  }
0xb2: {  	[sflag:s0] =	ssyncadd.s32 $0xFFFFF980  }
0xb3: {  	[hbm4b:s18+s3] =	stream.linear.scatter [tilespmem:s31], [sflag:$0x3], $0x680, $0x38;
	[tilespmem:$0x14500] =	vst v63  }
0xb4: {  	_ =	swait.ge [sflag:s24], $0x680  }
0xb5: {  	[sflag:s24] =	ssyncset.done $0x0  }
0xb6: {  	[sflag:s24] =	ssyncadd.s32 $0xFFFFF980  }
0xb7: {  	[tilespmem:s30], [sflag:$0x1] =	stream.indirect.gather [hbm4b:s4+s26], $0x10, s9, s26, $0xb8;
	[tilespmem:$0x14500] =	vst v63  }
0xb8: {  	_ = 	snop  }
0xb9: {  	[tilespmem:s31], [sflag:$0x2] =	stream.indirect.gather [hbm4b:s5+s26], $0x1, s9, s26, $0xb8;
	[tilespmem:$0x14500] =	vst v63  }
0xba: {  	_ =	swait.ge [sflag:s1], $0x6800  }
0xbb: {  	[sflag:s1] =	ssyncset.done $0x0  }
0xbc: {  	[sflag:s1] =	ssyncadd.s32 $0xFFFF9800  }
0xbd: {  	[hbm4b:s19+s3] =	stream.linear.scatter [tilespmem:s28], [sflag:$0x3], $0x6800, $0x38;
	[tilespmem:$0x14500] =	vst v63  }
0xbe: {  	_ =	swait.ge [sflag:s24], $0x6800  }
0xbf: {  	[sflag:s24] =	ssyncset.done $0x0  }
0xc0: {  	[sflag:s24] =	ssyncadd.s32 $0xFFFF9800  }
0xc1: {  	_ =	swait.ge [sflag:s0], $0x680  }
0xc2: {  	[sflag:s0] =	ssyncset.done $0x0  }
0xc3: {  	[sflag:s0] =	ssyncadd.s32 $0xFFFFF980  }
0xc4: {  	[hbm4b:s20+s3] =	stream.linear.scatter [tilespmem:s29], [sflag:$0x3], $0x680, $0x38;
	[tilespmem:$0x14500] =	vst v63  }
0xc5: {  	_ =	swait.ge [sflag:s24], $0x680  }
0xc6: {  	[sflag:s24] =	ssyncset.done $0x0  }
0xc7: {  	[sflag:s24] =	ssyncadd.s32 $0xFFFFF980  }
0xc8: {  	_ =	swait.ge [sflag:s1], $0x6800  }
0xc9: {  	[sflag:s1] =	ssyncset.done $0x0  }
0xca: {  	[sflag:s1] =	ssyncadd.s32 $0xFFFF9800  }
0xcb: {  	[hbm4b:s21+s3] =	stream.linear.scatter [tilespmem:s30], [sflag:$0x3], $0x6800, $0x38;
	[tilespmem:$0x14500] =	vst v63  }
0xcc: {  	_ =	swait.ge [sflag:s24], $0x6800  }
0xcd: {  	[sflag:s24] =	ssyncset.done $0x0  }
0xce: {  	[sflag:s24] =	ssyncadd.s32 $0xFFFF9800  }
0xcf: {  	s10 =	sadd.s32 $0x1, s10;
	_ =	swait.ge [sflag:s0], $0x680  }
0xd0: {  	p0 =	sne.s32 s10, s23;
	[sflag:s0] =	ssyncset.done $0x0  }
.Ltmp1:
0xd1: {  	[sflag:s0] =	ssyncadd.s32 $0xFFFFF980;
	(pc) =	sbr.rel @p0 .LBB2_1-.Ltmp1, $4  }
0xd2: {  	[hbm4b:s22+s3] =	stream.linear.scatter [tilespmem:s31], [sflag:$0x3], $0x680, $0x38;
	[tilespmem:$0x14500] =	vst v63  }
0xd3: {  	_ =	swait.ge [sflag:s24], $0x680  }
0xd4: {  	[sflag:s24] =	ssyncset.done $0x0  }
0xd5: {  	[sflag:s24] =	ssyncadd.s32 $0xFFFFF980  }
0xd6: {  	_ =	sfence.sel $0x180000  }
0xd7: {  	[bflag:$0x0] =	sbarrier.arrive $0xFFFF  }
0xd8: {  	_ =	strace $0x90000047  }
0xd9: {  	s0 =	stileid.u32;
	[bflag:$0x2] =	sbarrier.arrive $0xFFFF  }
0xda: {  	p0 =	sne.s32 s0, $0x0;
	s0 =	rddreg [dreg:$0x2]  }
0xdb: {  	s0 =	sadd.s32 @!p0 $0x100000, s0  }
0xdc: {  	[sflag:s0] =	ssyncadd.tile.s32 @!p0 $0x1;
	_ =	shalt  }
.Lfunc_end2:
_tile_overlayer_lowered:
.L_overlay_start_2:
0xdd: {  	(tag) =	ssettag $0x2  }
0xde: {  	s0 =	rddreg [dreg:$0x0];
	s2 =	stileid.u32  }
0xdf: {  	s1 =	rddreg [dreg:$0x1];
	p0 =	sne.s32 s2, $0x0  }
0xe0: {  	s3 =	rddreg [dreg:$0x2];
	[bflag:$0x3] =	sbarrier.arrive $0xFFFF;
	s2 =	simm.s32 @!p0 $0x1C03  }
0xe1: {  	[timem:s3], [sflag:s2] =	dma.local @!p0 [hbm:s0], s1  }
0xe2: {  	s0 =	simm.s32 @!p0 $0x3  }
0xe3: {  	_ =	swait.ge @!p0 [sflag:s0], s1  }
0xe4: {  	s1 =	ssub.s32 @!p0 $0x0, s1;
	[sflag:s0] =	ssyncset.done @!p0 $0x0  }
0xe5: {  	[sflag:s0] =	ssyncadd.s32 @!p0 s1  }
0xe6: {  	[bflag:$0x3] =	sbarrier.arrive $0xFFFF  }
0xe7: {  	_ =	shalt  }

</sc_bundles>
